<compile_context>
chip_gen: v7x
topology: tpu7x:2x2x1
jax: 0.10.2.dev20260603
libtpu: 0.0.44.dev20260713+nightly
codegen_flags: <defaults>
</compile_context>

<pallas_src>
import functools

import jax
import jax.numpy as jnp
from jax import lax
from jax.experimental import pallas as pl
from jax.experimental.pallas import tpu as pltpu
from jax.experimental.pallas import tpu_sc as plsc

D = 64
B = 16384
R = 1000
LMBDA = 0.0001

NC = 2
NS = 16
NW = NC * NS
BPW = B // NW
NT = 4


@functools.cache
def _sc_gather():
    mesh = plsc.VectorSubcoreMesh(core_axis_name="c", subcore_axis_name="s")
    out_t = [jax.ShapeDtypeStruct((B, D), jnp.float32)] * NT

    HB = BPW // 2
    scratch = [
        pltpu.SMEM((BPW,), jnp.int32),
        pltpu.VMEM_SHARED((B,), jnp.int32),
        pltpu.VMEM((2, HB, D), jnp.float32),
        pltpu.SemaphoreType.DMA,
        pltpu.SemaphoreType.DMA,
    ]

    @functools.partial(pl.kernel, mesh=mesh, out_type=out_t,
                       scratch_types=scratch)
    def k(ph, pt, nh, nt, ent,
          o_ph, o_pt, o_nh, o_nt,
          idx_s, idx_sh, rows, sem0, sem1):
        wid = lax.axis_index("s") * NC + lax.axis_index("c")
        base = wid * BPW
        pairs = [(ph, o_ph), (pt, o_pt), (nh, o_nh), (nt, o_nt)]
        sems = [sem0, sem1]
        stages = [(t, h) for t in range(NT) for h in range(2)]

        def drain(s):
            t, h = stages[s]
            buf = s % 2
            out = pairs[t][1]
            pltpu.make_async_copy(
                ent.at[pl.ds(0, HB)], rows.at[buf], sems[buf]
            ).wait()
            pltpu.sync_copy(rows.at[buf],
                            out.at[pl.ds(base + h * HB, HB)])

        for s, (t, h) in enumerate(stages):
            idx_hbm = pairs[t][0]
            if h == 0:
                pltpu.sync_copy(idx_hbm.at[pl.ds(base, BPW)],
                                idx_sh.at[pl.ds(base, BPW)])
                pltpu.sync_copy(idx_sh.at[pl.ds(base, BPW)], idx_s)
            buf = s % 2

            def fire(i, _, buf=buf, h=h, sem=sems[buf]):
                off = idx_s[h * HB + i]
                pltpu.make_async_copy(
                    ent.at[pl.ds(off, 1)],
                    rows.at[buf].at[pl.ds(i, 1)], sem
                ).start()
                return 0

            lax.fori_loop(0, HB, fire, 0)
            if s > 0:
                drain(s - 1)
        drain(len(stages) - 1)

    return k


def _tc_loss(ph, pt, nh, nt, pr_idx, nr_idx, rel):
    BLK = 2048

    def body(ph_ref, pt_ref, nh_ref, nt_ref, pri_ref, nri_ref, rel_ref,
             out_ref):
        @pl.when(pl.program_id(0) == 0)
        def _():
            out_ref[0, 0] = 0.0

        relv = rel_ref[...]
        cols = lax.broadcasted_iota(jnp.int32, (BLK, R), 1)

        def pick(idx_ref):
            oh = (cols == idx_ref[...]).astype(jnp.float32)
            return jnp.dot(oh, relv, preferred_element_type=jnp.float32)

        phv, ptv = ph_ref[...], pt_ref[...]
        nhv, ntv = nh_ref[...], nt_ref[...]
        prv = pick(pri_ref)
        nrv = pick(nri_ref)
        p = jnp.sum(phv * prv * ptv, axis=-1)
        n = jnp.sum(nhv * nrv * ntv, axis=-1)
        lf = jnp.sum(jax.nn.softplus(-p) + jax.nn.softplus(n))
        rg = jnp.sum(phv * phv + ptv * ptv + prv * prv
                     + nhv * nhv + ntv * ntv + nrv * nrv)
        out_ref[0, 0] += lf + LMBDA * rg

    rspec = pl.BlockSpec((BLK, D), lambda i: (i, 0))
    ispec = pl.BlockSpec((BLK, 1), lambda i: (i, 0))
    tspec = pl.BlockSpec((R, D), lambda i: (0, 0))
    out = pl.pallas_call(
        body,
        grid=(B // BLK,),
        in_specs=[rspec] * 4 + [ispec] * 2 + [tspec],
        out_specs=pl.BlockSpec(memory_space=pltpu.SMEM),
        out_shape=jax.ShapeDtypeStruct((1, 1), jnp.float32),
    )(ph, pt, nh, nt, pr_idx, nr_idx, rel)
    return out[0, 0]


def kernel(pos_h, pos_t, pos_r, neg_h, neg_t, neg_r,
           ent_embeddings, rel_embeddings):
    eidx = [x.astype(jnp.int32) for x in (pos_h, pos_t, neg_h, neg_t)]
    ph, pt, nh, nt = _sc_gather()(*eidx, ent_embeddings)
    pr_idx = pos_r.astype(jnp.int32).reshape(B, 1)
    nr_idx = neg_r.astype(jnp.int32).reshape(B, 1)
    return _tc_loss(ph, pt, nh, nt, pr_idx, nr_idx, rel_embeddings)

# --- scband reference (transcript-rebuilt; emitter-appended) ---
"""Pipeline reference for scband-dist-mult-34574486732930 (READ-ONLY COPY).

The authoritative reference and input builder live on the scoring server;
editing this copy changes nothing except your own understanding.
"""

import jax, jax.numpy as jnp
import numpy as np

ENT_NUM = 1000000
REL_NUM = 1000
EMBED_DIM = 64
BATCH = 16384
LMBDA = 0.0001


def setup_inputs(seed: int = 0) -> dict:
    key = jax.random.key(seed)
    ks = jax.random.split(key, 8)
    inp = {
        "pos_h": jax.random.randint(ks[0], (BATCH,), 0, ENT_NUM),
        "pos_t": jax.random.randint(ks[1], (BATCH,), 0, ENT_NUM),
        "pos_r": jax.random.randint(ks[2], (BATCH,), 0, REL_NUM),
        "neg_h": jax.random.randint(ks[3], (BATCH,), 0, ENT_NUM),
        "neg_t": jax.random.randint(ks[4], (BATCH,), 0, ENT_NUM),
        "neg_r": jax.random.randint(ks[5], (BATCH,), 0, REL_NUM),
        # learned parameters (xavier-uniform style init)
        "ent_embeddings": jax.random.uniform(ks[6], (ENT_NUM, EMBED_DIM), minval=-1.0, maxval=1.0) * float(np.sqrt(6.0 / (ENT_NUM + EMBED_DIM))),
        "rel_embeddings": jax.random.uniform(ks[7], (REL_NUM, EMBED_DIM), minval=-1.0, maxval=1.0) * float(np.sqrt(6.0 / (REL_NUM + EMBED_DIM))),
    }
    return inp


def _calc(h, t, r):
    return jnp.sum(h * r * t, axis=-1)


def reference(pos_h, pos_t, pos_r, neg_h, neg_t, neg_r, ent_embeddings, rel_embeddings):
    # embedding lookups (gathers)
    p_h = jnp.take(ent_embeddings, pos_h, axis=0)
    p_t = jnp.take(ent_embeddings, pos_t, axis=0)
    p_r = jnp.take(rel_embeddings, pos_r, axis=0)
    n_h = jnp.take(ent_embeddings, neg_h, axis=0)
    n_t = jnp.take(ent_embeddings, neg_t, axis=0)
    n_r = jnp.take(rel_embeddings, neg_r, axis=0)

    _p_score = _calc(p_h, p_t, p_r)
    _n_score = _calc(n_h, n_t, n_r)

    loss_func = jnp.sum(jax.nn.softplus(-1.0 * _p_score) + jax.nn.softplus(1.0 * _n_score))
    regul_func = jnp.sum(p_h ** 2 + p_t ** 2 + p_r ** 2 + n_h ** 2 + n_t ** 2 + n_r ** 2)
    loss = loss_func + LMBDA * regul_func
    return loss

if __name__ == "__main__":
    import jax
    _d = setup_inputs()
    print(jax.jit(kernel)(*tuple(_d.values())))

</pallas_src>

<mosaic_0001>
#map = affine_map<(d0, d1) -> (0)>
#map1 = affine_map<(d0, d1) -> (0, 0)>
module attributes {stable_mosaic.version = 14 : i64} {
  func.func @k(%arg0: i32, %arg1: i32, %arg2: memref<16384xi32, #tpu.memory_space<hbm>>, %arg3: memref<16384xi32, #tpu.memory_space<hbm>>, %arg4: memref<16384xi32, #tpu.memory_space<hbm>>, %arg5: memref<16384xi32, #tpu.memory_space<hbm>>, %arg6: memref<1000000x64xf32, #tpu.memory_space<hbm>>, %arg7: memref<16384x64xf32, #tpu.memory_space<hbm>>, %arg8: memref<16384x64xf32, #tpu.memory_space<hbm>>, %arg9: memref<16384x64xf32, #tpu.memory_space<hbm>>, %arg10: memref<16384x64xf32, #tpu.memory_space<hbm>>, %arg11: memref<512xi32, #tpu.memory_space<smem>>, %arg12: memref<16384xi32, #tpu.memory_space<vmem_shared>>, %arg13: memref<2x256x64xf32, #tpu.memory_space<vmem>>, %arg14: memref<!tpu.dma_semaphore, #tpu.memory_space<semaphore_mem>>, %arg15: memref<!tpu.dma_semaphore, #tpu.memory_space<semaphore_mem>>) attributes {dimension_semantics = [#tpu.dimension_semantics<core_parallel>, #tpu.dimension_semantics<subcore_parallel>], iteration_bounds = array<i64: 2, 16>, scalar_prefetch = 0 : i64, scratch_operands = 5 : i64, tpu.core_type = #tpu.core_type<sc_vector_subcore>, window_params = [{transform_indices = #map}, {transform_indices = #map}, {transform_indices = #map}, {transform_indices = #map}, {transform_indices = #map1}, {transform_indices = #map1}, {transform_indices = #map1}, {transform_indices = #map1}, {transform_indices = #map1}]} {
    %mul3A = arith.constant 2 : i32
    %mul3A_0 = arith.muli %arg1, %mul3A : i32
    %add3A = arith.addi %mul3A_0, %arg0 : i32
    %mul3A_1 = arith.constant 512 : i32
    %mul3A_2 = arith.muli %add3A, %mul3A_1 : i32
    "tpu.region"() ({
      %run_scoped3A_200 = tpu.sem_alloc : memref<!tpu.dma_semaphore, #tpu.memory_space<semaphore_mem>>
      %dma_start3A = tpu.memref_slice %arg12[%mul3A_2] : memref<16384xi32, #tpu.memory_space<vmem_shared>> -> memref<512xi32, #tpu.memory_space<vmem_shared>>
      %dma_start3A_201 = tpu.memref_slice %arg2[%mul3A_2] : memref<16384xi32, #tpu.memory_space<hbm>> -> memref<512xi32, #tpu.memory_space<hbm>>
      tpu.enqueue_dma source(%dma_start3A_201 : memref<512xi32, #tpu.memory_space<hbm>>) target(%dma_start3A : memref<512xi32, #tpu.memory_space<vmem_shared>>) target_semaphore(%run_scoped3A_200 : memref<!tpu.dma_semaphore, #tpu.memory_space<semaphore_mem>>)
      %dma_wait3A_202 = tpu.memref_slice %arg12[%mul3A_2] : memref<16384xi32, #tpu.memory_space<vmem_shared>> -> memref<512xi32, #tpu.memory_space<vmem_shared>>
      %dma_wait3A_203 = tpu.memref_slice %arg2[%mul3A_2] : memref<16384xi32, #tpu.memory_space<hbm>> -> memref<512xi32, #tpu.memory_space<hbm>>
      tpu.wait_dma2 semaphore(%run_scoped3A_200 : memref<!tpu.dma_semaphore, #tpu.memory_space<semaphore_mem>>) src(%dma_wait3A_203 : memref<512xi32, #tpu.memory_space<hbm>>) dst(%dma_wait3A_202 : memref<512xi32, #tpu.memory_space<vmem_shared>>)
      tpu.yield
    }) : () -> ()
    "tpu.region"() ({
      %run_scoped3A_200 = tpu.sem_alloc : memref<!tpu.dma_semaphore, #tpu.memory_space<semaphore_mem>>
      %dma_start3A = tpu.memref_slice %arg12[%mul3A_2] : memref<16384xi32, #tpu.memory_space<vmem_shared>> -> memref<512xi32, #tpu.memory_space<vmem_shared>>
      tpu.enqueue_dma source(%dma_start3A : memref<512xi32, #tpu.memory_space<vmem_shared>>) target(%arg11 : memref<512xi32, #tpu.memory_space<smem>>) target_semaphore(%run_scoped3A_200 : memref<!tpu.dma_semaphore, #tpu.memory_space<semaphore_mem>>)
      %dma_wait3A_201 = tpu.memref_slice %arg12[%mul3A_2] : memref<16384xi32, #tpu.memory_space<vmem_shared>> -> memref<512xi32, #tpu.memory_space<vmem_shared>>
      tpu.wait_dma2 semaphore(%run_scoped3A_200 : memref<!tpu.dma_semaphore, #tpu.memory_space<semaphore_mem>>) src(%dma_wait3A_201 : memref<512xi32, #tpu.memory_space<vmem_shared>>) dst(%arg11 : memref<512xi32, #tpu.memory_space<smem>>)
      tpu.yield
    }) : () -> ()
    %scan3A = arith.constant 0 : i32
    %scan3A_3 = arith.constant 0 : i32
    %scan3A_4 = arith.constant 256 : i32
    %scan3A_5 = arith.addi %scan3A_3, %scan3A_4 : i32
    %scan3A_6 = arith.constant 1 : i32
    %scan3A_7 = scf.for %scan3A_200 = %scan3A_3 to %scan3A_5 step %scan3A_6 iter_args(%scan3A_201 = %scan3A) -> (i32)  : i32 {
      %add3A_202 = arith.constant 0 : i32
      %add3A_203 = arith.addi %add3A_202, %scan3A_200 : i32
      %get3A = arith.index_cast %add3A_203 : i32 to index
      %get3A_204 = memref.load %arg11[%get3A] : memref<512xi32, #tpu.memory_space<smem>>
      %dma_start3A = arith.constant 0 : i32
      %dma_start3A_205 = arith.constant 0 : i32
      %dma_start3A_206 = arith.constant 0 : i32
      %dma_start3A_207 = tpu.memref_slice %arg13[%dma_start3A, %dma_start3A_205, %dma_start3A_206] : memref<2x256x64xf32, #tpu.memory_space<vmem>> -> memref<1x256x64xf32, #tpu.memory_space<vmem>>
      %dma_start3A_208 = tpu.memref_squeeze %dma_start3A_207 : memref<1x256x64xf32, #tpu.memory_space<vmem>> -> memref<256x64xf32, #tpu.memory_space<vmem>>
      %dma_start3A_209 = arith.constant 0 : i32
      %dma_start3A_210 = tpu.memref_slice %dma_start3A_208[%scan3A_200, %dma_start3A_209] : memref<256x64xf32, #tpu.memory_space<vmem>> -> memref<1x64xf32, #tpu.memory_space<vmem>>
      %dma_start3A_211 = arith.constant 0 : i32
      %dma_start3A_212 = tpu.memref_slice %arg6[%get3A_204, %dma_start3A_211] : memref<1000000x64xf32, #tpu.memory_space<hbm>> -> memref<1x64xf32, #tpu.memory_space<hbm>>
      %dma_start3A_213 = arith.constant 0 : i32
      %dma_start3A_214 = arith.constant 0 : i32
      %dma_start3A_215 = tpu.memref_slice %arg13[%dma_start3A, %dma_start3A_213, %dma_start3A_214] : memref<2x256x64xf32, #tpu.memory_space<vmem>> -> memref<1x256x64xf32, #tpu.memory_space<vmem>>
      %dma_start3A_216 = tpu.memref_squeeze %dma_start3A_215 : memref<1x256x64xf32, #tpu.memory_space<vmem>> -> memref<256x64xf32, #tpu.memory_space<vmem>>
      %dma_start3A_217 = arith.constant 0 : i32
      %dma_start3A_218 = tpu.memref_slice %dma_start3A_216[%scan3A_200, %dma_start3A_217] : memref<256x64xf32, #tpu.memory_space<vmem>> -> memref<1x64xf32, #tpu.memory_space<vmem>>
      %dma_start3A_219 = arith.constant 0 : i32
      %dma_start3A_220 = tpu.memref_slice %arg6[%get3A_204, %dma_start3A_219] : memref<1000000x64xf32, #tpu.memory_space<hbm>> -> memref<1x64xf32, #tpu.memory_space<hbm>>
      tpu.enqueue_dma source(%dma_start3A_220 : memref<1x64xf32, #tpu.memory_space<hbm>>) target(%dma_start3A_218 : memref<1x64xf32, #tpu.memory_space<vmem>>) target_semaphore(%arg14 : memref<!tpu.dma_semaphore, #tpu.memory_space<semaphore_mem>>)
      %scan3A_221 = arith.constant 0 : i32
      scf.yield %scan3A_221 : i32
    }
    %scan3A_8 = arith.constant 256 : i32
    %scan3A_9 = arith.constant 0 : i32
    %scan3A_10 = arith.constant 0 : i32
    %scan3A_11 = arith.constant 256 : i32
    %scan3A_12 = arith.addi %scan3A_10, %scan3A_11 : i32
    %scan3A_13 = arith.constant 1 : i32
    %scan3A_14 = scf.for %scan3A_200 = %scan3A_10 to %scan3A_12 step %scan3A_13 iter_args(%scan3A_201 = %scan3A_9) -> (i32)  : i32 {
      %add3A_202 = arith.constant 256 : i32
      %add3A_203 = arith.addi %add3A_202, %scan3A_200 : i32
      %get3A = arith.index_cast %add3A_203 : i32 to index
      %get3A_204 = memref.load %arg11[%get3A] : memref<512xi32, #tpu.memory_space<smem>>
      %dma_start3A = arith.constant 1 : i32
      %dma_start3A_205 = arith.constant 0 : i32
      %dma_start3A_206 = arith.constant 0 : i32
      %dma_start3A_207 = tpu.memref_slice %arg13[%dma_start3A, %dma_start3A_205, %dma_start3A_206] : memref<2x256x64xf32, #tpu.memory_space<vmem>> -> memref<1x256x64xf32, #tpu.memory_space<vmem>>
      %dma_start3A_208 = tpu.memref_squeeze %dma_start3A_207 : memref<1x256x64xf32, #tpu.memory_space<vmem>> -> memref<256x64xf32, #tpu.memory_space<vmem>>
      %dma_start3A_209 = arith.constant 0 : i32
      %dma_start3A_210 = tpu.memref_slice %dma_start3A_208[%scan3A_200, %dma_start3A_209] : memref<256x64xf32, #tpu.memory_space<vmem>> -> memref<1x64xf32, #tpu.memory_space<vmem>>
      %dma_start3A_211 = arith.constant 0 : i32
      %dma_start3A_212 = tpu.memref_slice %arg6[%get3A_204, %dma_start3A_211] : memref<1000000x64xf32, #tpu.memory_space<hbm>> -> memref<1x64xf32, #tpu.memory_space<hbm>>
      %dma_start3A_213 = arith.constant 0 : i32
      %dma_start3A_214 = arith.constant 0 : i32
      %dma_start3A_215 = tpu.memref_slice %arg13[%dma_start3A, %dma_start3A_213, %dma_start3A_214] : memref<2x256x64xf32, #tpu.memory_space<vmem>> -> memref<1x256x64xf32, #tpu.memory_space<vmem>>
      %dma_start3A_216 = tpu.memref_squeeze %dma_start3A_215 : memref<1x256x64xf32, #tpu.memory_space<vmem>> -> memref<256x64xf32, #tpu.memory_space<vmem>>
      %dma_start3A_217 = arith.constant 0 : i32
      %dma_start3A_218 = tpu.memref_slice %dma_start3A_216[%scan3A_200, %dma_start3A_217] : memref<256x64xf32, #tpu.memory_space<vmem>> -> memref<1x64xf32, #tpu.memory_space<vmem>>
      %dma_start3A_219 = arith.constant 0 : i32
      %dma_start3A_220 = tpu.memref_slice %arg6[%get3A_204, %dma_start3A_219] : memref<1000000x64xf32, #tpu.memory_space<hbm>> -> memref<1x64xf32, #tpu.memory_space<hbm>>
      tpu.enqueue_dma source(%dma_start3A_220 : memref<1x64xf32, #tpu.memory_space<hbm>>) target(%dma_start3A_218 : memref<1x64xf32, #tpu.memory_space<vmem>>) target_semaphore(%arg15 : memref<!tpu.dma_semaphore, #tpu.memory_space<semaphore_mem>>)
      %scan3A_221 = arith.constant 0 : i32
      scf.yield %scan3A_221 : i32
    }
    %scan3A_15 = arith.constant 256 : i32
    %dma_wait3A = arith.constant 0 : i32
    %dma_wait3A_16 = arith.constant 0 : i32
    %dma_wait3A_17 = arith.constant 0 : i32
    %dma_wait3A_18 = tpu.memref_slice %arg13[%dma_wait3A, %dma_wait3A_16, %dma_wait3A_17] : memref<2x256x64xf32, #tpu.memory_space<vmem>> -> memref<1x256x64xf32, #tpu.memory_space<vmem>>
    %dma_wait3A_19 = tpu.memref_squeeze %dma_wait3A_18 : memref<1x256x64xf32, #tpu.memory_space<vmem>> -> memref<256x64xf32, #tpu.memory_space<vmem>>
    %dma_wait3A_20 = arith.constant 0 : i32
    %dma_wait3A_21 = arith.constant 0 : i32
    %dma_wait3A_22 = tpu.memref_slice %arg6[%dma_wait3A_20, %dma_wait3A_21] : memref<1000000x64xf32, #tpu.memory_space<hbm>> -> memref<256x64xf32, #tpu.memory_space<hbm>>
    %dma_wait3A_23 = arith.constant 0 : i32
    %dma_wait3A_24 = arith.constant 0 : i32
    %dma_wait3A_25 = tpu.memref_slice %arg13[%dma_wait3A, %dma_wait3A_23, %dma_wait3A_24] : memref<2x256x64xf32, #tpu.memory_space<vmem>> -> memref<1x256x64xf32, #tpu.memory_space<vmem>>
    %dma_wait3A_26 = tpu.memref_squeeze %dma_wait3A_25 : memref<1x256x64xf32, #tpu.memory_space<vmem>> -> memref<256x64xf32, #tpu.memory_space<vmem>>
    %dma_wait3A_27 = arith.constant 0 : i32
    %dma_wait3A_28 = arith.constant 0 : i32
    %dma_wait3A_29 = tpu.memref_slice %arg6[%dma_wait3A_27, %dma_wait3A_28] : memref<1000000x64xf32, #tpu.memory_space<hbm>> -> memref<256x64xf32, #tpu.memory_space<hbm>>
    tpu.wait_dma2 semaphore(%arg14 : memref<!tpu.dma_semaphore, #tpu.memory_space<semaphore_mem>>) src(%dma_wait3A_29 : memref<256x64xf32, #tpu.memory_space<hbm>>) dst(%dma_wait3A_26 : memref<256x64xf32, #tpu.memory_space<vmem>>)
    %add3A_30 = arith.constant 0 : i32
    %add3A_31 = arith.addi %mul3A_2, %add3A_30 : i32
    %run_scoped3A = arith.constant 0 : i32
    "tpu.region"() ({
      %run_scoped3A_200 = tpu.sem_alloc : memref<!tpu.dma_semaphore, #tpu.memory_space<semaphore_mem>>
      %dma_start3A = arith.constant 0 : i32
      %dma_start3A_201 = arith.constant 0 : i32
      %dma_start3A_202 = tpu.memref_slice %arg13[%run_scoped3A, %dma_start3A, %dma_start3A_201] : memref<2x256x64xf32, #tpu.memory_space<vmem>> -> memref<1x256x64xf32, #tpu.memory_space<vmem>>
      %dma_start3A_203 = tpu.memref_squeeze %dma_start3A_202 : memref<1x256x64xf32, #tpu.memory_space<vmem>> -> memref<256x64xf32, #tpu.memory_space<vmem>>
      %dma_start3A_204 = arith.constant 0 : i32
      %dma_start3A_205 = tpu.memref_slice %arg7[%add3A_31, %dma_start3A_204] : memref<16384x64xf32, #tpu.memory_space<hbm>> -> memref<256x64xf32, #tpu.memory_space<hbm>>
      %dma_start3A_206 = arith.constant 0 : i32
      %dma_start3A_207 = tpu.memref_slice %arg7[%add3A_31, %dma_start3A_206] : memref<16384x64xf32, #tpu.memory_space<hbm>> -> memref<256x64xf32, #tpu.memory_space<hbm>>
      %dma_start3A_208 = arith.constant 0 : i32
      %dma_start3A_209 = arith.constant 0 : i32
      %dma_start3A_210 = tpu.memref_slice %arg13[%run_scoped3A, %dma_start3A_208, %dma_start3A_209] : memref<2x256x64xf32, #tpu.memory_space<vmem>> -> memref<1x256x64xf32, #tpu.memory_space<vmem>>
      %dma_start3A_211 = tpu.memref_squeeze %dma_start3A_210 : memref<1x256x64xf32, #tpu.memory_space<vmem>> -> memref<256x64xf32, #tpu.memory_space<vmem>>
      tpu.enqueue_dma source(%dma_start3A_211 : memref<256x64xf32, #tpu.memory_space<vmem>>) target(%dma_start3A_207 : memref<256x64xf32, #tpu.memory_space<hbm>>) target_semaphore(%run_scoped3A_200 : memref<!tpu.dma_semaphore, #tpu.memory_space<semaphore_mem>>)
      %dma_wait3A_212 = arith.constant 0 : i32
      %dma_wait3A_213 = arith.constant 0 : i32
      %dma_wait3A_214 = tpu.memref_slice %arg13[%run_scoped3A, %dma_wait3A_212, %dma_wait3A_213] : memref<2x256x64xf32, #tpu.memory_space<vmem>> -> memref<1x256x64xf32, #tpu.memory_space<vmem>>
      %dma_wait3A_215 = tpu.memref_squeeze %dma_wait3A_214 : memref<1x256x64xf32, #tpu.memory_space<vmem>> -> memref<256x64xf32, #tpu.memory_space<vmem>>
      %dma_wait3A_216 = arith.constant 0 : i32
      %dma_wait3A_217 = tpu.memref_slice %arg7[%add3A_31, %dma_wait3A_216] : memref<16384x64xf32, #tpu.memory_space<hbm>> -> memref<256x64xf32, #tpu.memory_space<hbm>>
      %dma_wait3A_218 = arith.constant 0 : i32
      %dma_wait3A_219 = tpu.memref_slice %arg7[%add3A_31, %dma_wait3A_218] : memref<16384x64xf32, #tpu.memory_space<hbm>> -> memref<256x64xf32, #tpu.memory_space<hbm>>
      %dma_wait3A_220 = arith.constant 0 : i32
      %dma_wait3A_221 = arith.constant 0 : i32
      %dma_wait3A_222 = tpu.memref_slice %arg13[%run_scoped3A, %dma_wait3A_220, %dma_wait3A_221] : memref<2x256x64xf32, #tpu.memory_space<vmem>> -> memref<1x256x64xf32, #tpu.memory_space<vmem>>
      %dma_wait3A_223 = tpu.memref_squeeze %dma_wait3A_222 : memref<1x256x64xf32, #tpu.memory_space<vmem>> -> memref<256x64xf32, #tpu.memory_space<vmem>>
      tpu.wait_dma2 semaphore(%run_scoped3A_200 : memref<!tpu.dma_semaphore, #tpu.memory_space<semaphore_mem>>) src(%dma_wait3A_223 : memref<256x64xf32, #tpu.memory_space<vmem>>) dst(%dma_wait3A_219 : memref<256x64xf32, #tpu.memory_space<hbm>>)
      tpu.yield
    }) : () -> ()
    "tpu.region"() ({
      %run_scoped3A_200 = tpu.sem_alloc : memref<!tpu.dma_semaphore, #tpu.memory_space<semaphore_mem>>
      %dma_start3A = tpu.memref_slice %arg12[%mul3A_2] : memref<16384xi32, #tpu.memory_space<vmem_shared>> -> memref<512xi32, #tpu.memory_space<vmem_shared>>
      %dma_start3A_201 = tpu.memref_slice %arg3[%mul3A_2] : memref<16384xi32, #tpu.memory_space<hbm>> -> memref<512xi32, #tpu.memory_space<hbm>>
      tpu.enqueue_dma source(%dma_start3A_201 : memref<512xi32, #tpu.memory_space<hbm>>) target(%dma_start3A : memref<512xi32, #tpu.memory_space<vmem_shared>>) target_semaphore(%run_scoped3A_200 : memref<!tpu.dma_semaphore, #tpu.memory_space<semaphore_mem>>)
      %dma_wait3A_202 = tpu.memref_slice %arg12[%mul3A_2] : memref<16384xi32, #tpu.memory_space<vmem_shared>> -> memref<512xi32, #tpu.memory_space<vmem_shared>>
      %dma_wait3A_203 = tpu.memref_slice %arg3[%mul3A_2] : memref<16384xi32, #tpu.memory_space<hbm>> -> memref<512xi32, #tpu.memory_space<hbm>>
      tpu.wait_dma2 semaphore(%run_scoped3A_200 : memref<!tpu.dma_semaphore, #tpu.memory_space<semaphore_mem>>) src(%dma_wait3A_203 : memref<512xi32, #tpu.memory_space<hbm>>) dst(%dma_wait3A_202 : memref<512xi32, #tpu.memory_space<vmem_shared>>)
      tpu.yield
    }) : () -> ()
    "tpu.region"() ({
      %run_scoped3A_200 = tpu.sem_alloc : memref<!tpu.dma_semaphore, #tpu.memory_space<semaphore_mem>>
      %dma_start3A = tpu.memref_slice %arg12[%mul3A_2] : memref<16384xi32, #tpu.memory_space<vmem_shared>> -> memref<512xi32, #tpu.memory_space<vmem_shared>>
      tpu.enqueue_dma source(%dma_start3A : memref<512xi32, #tpu.memory_space<vmem_shared>>) target(%arg11 : memref<512xi32, #tpu.memory_space<smem>>) target_semaphore(%run_scoped3A_200 : memref<!tpu.dma_semaphore, #tpu.memory_space<semaphore_mem>>)
      %dma_wait3A_201 = tpu.memref_slice %arg12[%mul3A_2] : memref<16384xi32, #tpu.memory_space<vmem_shared>> -> memref<512xi32, #tpu.memory_space<vmem_shared>>
      tpu.wait_dma2 semaphore(%run_scoped3A_200 : memref<!tpu.dma_semaphore, #tpu.memory_space<semaphore_mem>>) src(%dma_wait3A_201 : memref<512xi32, #tpu.memory_space<vmem_shared>>) dst(%arg11 : memref<512xi32, #tpu.memory_space<smem>>)
      tpu.yield
    }) : () -> ()
    %scan3A_32 = arith.constant 0 : i32
    %scan3A_33 = arith.constant 0 : i32
    %scan3A_34 = arith.constant 256 : i32
    %scan3A_35 = arith.addi %scan3A_33, %scan3A_34 : i32
    %scan3A_36 = arith.constant 1 : i32
    %scan3A_37 = scf.for %scan3A_200 = %scan3A_33 to %scan3A_35 step %scan3A_36 iter_args(%scan3A_201 = %scan3A_32) -> (i32)  : i32 {
      %add3A_202 = arith.constant 0 : i32
      %add3A_203 = arith.addi %add3A_202, %scan3A_200 : i32
      %get3A = arith.index_cast %add3A_203 : i32 to index
      %get3A_204 = memref.load %arg11[%get3A] : memref<512xi32, #tpu.memory_space<smem>>
      %dma_start3A = arith.constant 0 : i32
      %dma_start3A_205 = arith.constant 0 : i32
      %dma_start3A_206 = arith.constant 0 : i32
      %dma_start3A_207 = tpu.memref_slice %arg13[%dma_start3A, %dma_start3A_205, %dma_start3A_206] : memref<2x256x64xf32, #tpu.memory_space<vmem>> -> memref<1x256x64xf32, #tpu.memory_space<vmem>>
      %dma_start3A_208 = tpu.memref_squeeze %dma_start3A_207 : memref<1x256x64xf32, #tpu.memory_space<vmem>> -> memref<256x64xf32, #tpu.memory_space<vmem>>
      %dma_start3A_209 = arith.constant 0 : i32
      %dma_start3A_210 = tpu.memref_slice %dma_start3A_208[%scan3A_200, %dma_start3A_209] : memref<256x64xf32, #tpu.memory_space<vmem>> -> memref<1x64xf32, #tpu.memory_space<vmem>>
      %dma_start3A_211 = arith.constant 0 : i32
      %dma_start3A_212 = tpu.memref_slice %arg6[%get3A_204, %dma_start3A_211] : memref<1000000x64xf32, #tpu.memory_space<hbm>> -> memref<1x64xf32, #tpu.memory_space<hbm>>
      %dma_start3A_213 = arith.constant 0 : i32
      %dma_start3A_214 = arith.constant 0 : i32
      %dma_start3A_215 = tpu.memref_slice %arg13[%dma_start3A, %dma_start3A_213, %dma_start3A_214] : memref<2x256x64xf32, #tpu.memory_space<vmem>> -> memref<1x256x64xf32, #tpu.memory_space<vmem>>
      %dma_start3A_216 = tpu.memref_squeeze %dma_start3A_215 : memref<1x256x64xf32, #tpu.memory_space<vmem>> -> memref<256x64xf32, #tpu.memory_space<vmem>>
      %dma_start3A_217 = arith.constant 0 : i32
      %dma_start3A_218 = tpu.memref_slice %dma_start3A_216[%scan3A_200, %dma_start3A_217] : memref<256x64xf32, #tpu.memory_space<vmem>> -> memref<1x64xf32, #tpu.memory_space<vmem>>
      %dma_start3A_219 = arith.constant 0 : i32
      %dma_start3A_220 = tpu.memref_slice %arg6[%get3A_204, %dma_start3A_219] : memref<1000000x64xf32, #tpu.memory_space<hbm>> -> memref<1x64xf32, #tpu.memory_space<hbm>>
      tpu.enqueue_dma source(%dma_start3A_220 : memref<1x64xf32, #tpu.memory_space<hbm>>) target(%dma_start3A_218 : memref<1x64xf32, #tpu.memory_space<vmem>>) target_semaphore(%arg14 : memref<!tpu.dma_semaphore, #tpu.memory_space<semaphore_mem>>)
      %scan3A_221 = arith.constant 0 : i32
      scf.yield %scan3A_221 : i32
    }
    %scan3A_38 = arith.constant 256 : i32
    %dma_wait3A_39 = arith.constant 1 : i32
    %dma_wait3A_40 = arith.constant 0 : i32
    %dma_wait3A_41 = arith.constant 0 : i32
    %dma_wait3A_42 = tpu.memref_slice %arg13[%dma_wait3A_39, %dma_wait3A_40, %dma_wait3A_41] : memref<2x256x64xf32, #tpu.memory_space<vmem>> -> memref<1x256x64xf32, #tpu.memory_space<vmem>>
    %dma_wait3A_43 = tpu.memref_squeeze %dma_wait3A_42 : memref<1x256x64xf32, #tpu.memory_space<vmem>> -> memref<256x64xf32, #tpu.memory_space<vmem>>
    %dma_wait3A_44 = arith.constant 0 : i32
    %dma_wait3A_45 = arith.constant 0 : i32
    %dma_wait3A_46 = tpu.memref_slice %arg6[%dma_wait3A_44, %dma_wait3A_45] : memref<1000000x64xf32, #tpu.memory_space<hbm>> -> memref<256x64xf32, #tpu.memory_space<hbm>>
    %dma_wait3A_47 = arith.constant 0 : i32
    %dma_wait3A_48 = arith.constant 0 : i32
    %dma_wait3A_49 = tpu.memref_slice %arg13[%dma_wait3A_39, %dma_wait3A_47, %dma_wait3A_48] : memref<2x256x64xf32, #tpu.memory_space<vmem>> -> memref<1x256x64xf32, #tpu.memory_space<vmem>>
    %dma_wait3A_50 = tpu.memref_squeeze %dma_wait3A_49 : memref<1x256x64xf32, #tpu.memory_space<vmem>> -> memref<256x64xf32, #tpu.memory_space<vmem>>
    %dma_wait3A_51 = arith.constant 0 : i32
    %dma_wait3A_52 = arith.constant 0 : i32
    %dma_wait3A_53 = tpu.memref_slice %arg6[%dma_wait3A_51, %dma_wait3A_52] : memref<1000000x64xf32, #tpu.memory_space<hbm>> -> memref<256x64xf32, #tpu.memory_space<hbm>>
    tpu.wait_dma2 semaphore(%arg15 : memref<!tpu.dma_semaphore, #tpu.memory_space<semaphore_mem>>) src(%dma_wait3A_53 : memref<256x64xf32, #tpu.memory_space<hbm>>) dst(%dma_wait3A_50 : memref<256x64xf32, #tpu.memory_space<vmem>>)
    %add3A_54 = arith.constant 256 : i32
    %add3A_55 = arith.addi %mul3A_2, %add3A_54 : i32
    %run_scoped3A_56 = arith.constant 1 : i32
    "tpu.region"() ({
      %run_scoped3A_200 = tpu.sem_alloc : memref<!tpu.dma_semaphore, #tpu.memory_space<semaphore_mem>>
      %dma_start3A = arith.constant 0 : i32
      %dma_start3A_201 = arith.constant 0 : i32
      %dma_start3A_202 = tpu.memref_slice %arg13[%run_scoped3A_56, %dma_start3A, %dma_start3A_201] : memref<2x256x64xf32, #tpu.memory_space<vmem>> -> memref<1x256x64xf32, #tpu.memory_space<vmem>>
      %dma_start3A_203 = tpu.memref_squeeze %dma_start3A_202 : memref<1x256x64xf32, #tpu.memory_space<vmem>> -> memref<256x64xf32, #tpu.memory_space<vmem>>
      %dma_start3A_204 = arith.constant 0 : i32
      %dma_start3A_205 = tpu.memref_slice %arg7[%add3A_55, %dma_start3A_204] : memref<16384x64xf32, #tpu.memory_space<hbm>> -> memref<256x64xf32, #tpu.memory_space<hbm>>
      %dma_start3A_206 = arith.constant 0 : i32
      %dma_start3A_207 = tpu.memref_slice %arg7[%add3A_55, %dma_start3A_206] : memref<16384x64xf32, #tpu.memory_space<hbm>> -> memref<256x64xf32, #tpu.memory_space<hbm>>
      %dma_start3A_208 = arith.constant 0 : i32
      %dma_start3A_209 = arith.constant 0 : i32
      %dma_start3A_210 = tpu.memref_slice %arg13[%run_scoped3A_56, %dma_start3A_208, %dma_start3A_209] : memref<2x256x64xf32, #tpu.memory_space<vmem>> -> memref<1x256x64xf32, #tpu.memory_space<vmem>>
      %dma_start3A_211 = tpu.memref_squeeze %dma_start3A_210 : memref<1x256x64xf32, #tpu.memory_space<vmem>> -> memref<256x64xf32, #tpu.memory_space<vmem>>
      tpu.enqueue_dma source(%dma_start3A_211 : memref<256x64xf32, #tpu.memory_space<vmem>>) target(%dma_start3A_207 : memref<256x64xf32, #tpu.memory_space<hbm>>) target_semaphore(%run_scoped3A_200 : memref<!tpu.dma_semaphore, #tpu.memory_space<semaphore_mem>>)
      %dma_wait3A_212 = arith.constant 0 : i32
      %dma_wait3A_213 = arith.constant 0 : i32
      %dma_wait3A_214 = tpu.memref_slice %arg13[%run_scoped3A_56, %dma_wait3A_212, %dma_wait3A_213] : memref<2x256x64xf32, #tpu.memory_space<vmem>> -> memref<1x256x64xf32, #tpu.memory_space<vmem>>
      %dma_wait3A_215 = tpu.memref_squeeze %dma_wait3A_214 : memref<1x256x64xf32, #tpu.memory_space<vmem>> -> memref<256x64xf32, #tpu.memory_space<vmem>>
      %dma_wait3A_216 = arith.constant 0 : i32
      %dma_wait3A_217 = tpu.memref_slice %arg7[%add3A_55, %dma_wait3A_216] : memref<16384x64xf32, #tpu.memory_space<hbm>> -> memref<256x64xf32, #tpu.memory_space<hbm>>
      %dma_wait3A_218 = arith.constant 0 : i32
      %dma_wait3A_219 = tpu.memref_slice %arg7[%add3A_55, %dma_wait3A_218] : memref<16384x64xf32, #tpu.memory_space<hbm>> -> memref<256x64xf32, #tpu.memory_space<hbm>>
      %dma_wait3A_220 = arith.constant 0 : i32
      %dma_wait3A_221 = arith.constant 0 : i32
      %dma_wait3A_222 = tpu.memref_slice %arg13[%run_scoped3A_56, %dma_wait3A_220, %dma_wait3A_221] : memref<2x256x64xf32, #tpu.memory_space<vmem>> -> memref<1x256x64xf32, #tpu.memory_space<vmem>>
      %dma_wait3A_223 = tpu.memref_squeeze %dma_wait3A_222 : memref<1x256x64xf32, #tpu.memory_space<vmem>> -> memref<256x64xf32, #tpu.memory_space<vmem>>
      tpu.wait_dma2 semaphore(%run_scoped3A_200 : memref<!tpu.dma_semaphore, #tpu.memory_space<semaphore_mem>>) src(%dma_wait3A_223 : memref<256x64xf32, #tpu.memory_space<vmem>>) dst(%dma_wait3A_219 : memref<256x64xf32, #tpu.memory_space<hbm>>)
      tpu.yield
    }) : () -> ()
    %scan3A_57 = arith.constant 0 : i32
    %scan3A_58 = arith.constant 0 : i32
    %scan3A_59 = arith.constant 256 : i32
    %scan3A_60 = arith.addi %scan3A_58, %scan3A_59 : i32
    %scan3A_61 = arith.constant 1 : i32
    %scan3A_62 = scf.for %scan3A_200 = %scan3A_58 to %scan3A_60 step %scan3A_61 iter_args(%scan3A_201 = %scan3A_57) -> (i32)  : i32 {
      %add3A_202 = arith.constant 256 : i32
      %add3A_203 = arith.addi %add3A_202, %scan3A_200 : i32
      %get3A = arith.index_cast %add3A_203 : i32 to index
      %get3A_204 = memref.load %arg11[%get3A] : memref<512xi32, #tpu.memory_space<smem>>
      %dma_start3A = arith.constant 1 : i32
      %dma_start3A_205 = arith.constant 0 : i32
      %dma_start3A_206 = arith.constant 0 : i32
      %dma_start3A_207 = tpu.memref_slice %arg13[%dma_start3A, %dma_start3A_205, %dma_start3A_206] : memref<2x256x64xf32, #tpu.memory_space<vmem>> -> memref<1x256x64xf32, #tpu.memory_space<vmem>>
      %dma_start3A_208 = tpu.memref_squeeze %dma_start3A_207 : memref<1x256x64xf32, #tpu.memory_space<vmem>> -> memref<256x64xf32, #tpu.memory_space<vmem>>
      %dma_start3A_209 = arith.constant 0 : i32
      %dma_start3A_210 = tpu.memref_slice %dma_start3A_208[%scan3A_200, %dma_start3A_209] : memref<256x64xf32, #tpu.memory_space<vmem>> -> memref<1x64xf32, #tpu.memory_space<vmem>>
      %dma_start3A_211 = arith.constant 0 : i32
      %dma_start3A_212 = tpu.memref_slice %arg6[%get3A_204, %dma_start3A_211] : memref<1000000x64xf32, #tpu.memory_space<hbm>> -> memref<1x64xf32, #tpu.memory_space<hbm>>
      %dma_start3A_213 = arith.constant 0 : i32
      %dma_start3A_214 = arith.constant 0 : i32
      %dma_start3A_215 = tpu.memref_slice %arg13[%dma_start3A, %dma_start3A_213, %dma_start3A_214] : memref<2x256x64xf32, #tpu.memory_space<vmem>> -> memref<1x256x64xf32, #tpu.memory_space<vmem>>
      %dma_start3A_216 = tpu.memref_squeeze %dma_start3A_215 : memref<1x256x64xf32, #tpu.memory_space<vmem>> -> memref<256x64xf32, #tpu.memory_space<vmem>>
      %dma_start3A_217 = arith.constant 0 : i32
      %dma_start3A_218 = tpu.memref_slice %dma_start3A_216[%scan3A_200, %dma_start3A_217] : memref<256x64xf32, #tpu.memory_space<vmem>> -> memref<1x64xf32, #tpu.memory_space<vmem>>
      %dma_start3A_219 = arith.constant 0 : i32
      %dma_start3A_220 = tpu.memref_slice %arg6[%get3A_204, %dma_start3A_219] : memref<1000000x64xf32, #tpu.memory_space<hbm>> -> memref<1x64xf32, #tpu.memory_space<hbm>>
      tpu.enqueue_dma source(%dma_start3A_220 : memref<1x64xf32, #tpu.memory_space<hbm>>) target(%dma_start3A_218 : memref<1x64xf32, #tpu.memory_space<vmem>>) target_semaphore(%arg15 : memref<!tpu.dma_semaphore, #tpu.memory_space<semaphore_mem>>)
      %scan3A_221 = arith.constant 0 : i32
      scf.yield %scan3A_221 : i32
    }
    %scan3A_63 = arith.constant 256 : i32
    %dma_wait3A_64 = arith.constant 0 : i32
    %dma_wait3A_65 = arith.constant 0 : i32
    %dma_wait3A_66 = arith.constant 0 : i32
    %dma_wait3A_67 = tpu.memref_slice %arg13[%dma_wait3A_64, %dma_wait3A_65, %dma_wait3A_66] : memref<2x256x64xf32, #tpu.memory_space<vmem>> -> memref<1x256x64xf32, #tpu.memory_space<vmem>>
    %dma_wait3A_68 = tpu.memref_squeeze %dma_wait3A_67 : memref<1x256x64xf32, #tpu.memory_space<vmem>> -> memref<256x64xf32, #tpu.memory_space<vmem>>
    %dma_wait3A_69 = arith.constant 0 : i32
    %dma_wait3A_70 = arith.constant 0 : i32
    %dma_wait3A_71 = tpu.memref_slice %arg6[%dma_wait3A_69, %dma_wait3A_70] : memref<1000000x64xf32, #tpu.memory_space<hbm>> -> memref<256x64xf32, #tpu.memory_space<hbm>>
    %dma_wait3A_72 = arith.constant 0 : i32
    %dma_wait3A_73 = arith.constant 0 : i32
    %dma_wait3A_74 = tpu.memref_slice %arg13[%dma_wait3A_64, %dma_wait3A_72, %dma_wait3A_73] : memref<2x256x64xf32, #tpu.memory_space<vmem>> -> memref<1x256x64xf32, #tpu.memory_space<vmem>>
    %dma_wait3A_75 = tpu.memref_squeeze %dma_wait3A_74 : memref<1x256x64xf32, #tpu.memory_space<vmem>> -> memref<256x64xf32, #tpu.memory_space<vmem>>
    %dma_wait3A_76 = arith.constant 0 : i32
    %dma_wait3A_77 = arith.constant 0 : i32
    %dma_wait3A_78 = tpu.memref_slice %arg6[%dma_wait3A_76, %dma_wait3A_77] : memref<1000000x64xf32, #tpu.memory_space<hbm>> -> memref<256x64xf32, #tpu.memory_space<hbm>>
    tpu.wait_dma2 semaphore(%arg14 : memref<!tpu.dma_semaphore, #tpu.memory_space<semaphore_mem>>) src(%dma_wait3A_78 : memref<256x64xf32, #tpu.memory_space<hbm>>) dst(%dma_wait3A_75 : memref<256x64xf32, #tpu.memory_space<vmem>>)
    %add3A_79 = arith.constant 0 : i32
    %add3A_80 = arith.addi %mul3A_2, %add3A_79 : i32
    %run_scoped3A_81 = arith.constant 0 : i32
    "tpu.region"() ({
      %run_scoped3A_200 = tpu.sem_alloc : memref<!tpu.dma_semaphore, #tpu.memory_space<semaphore_mem>>
      %dma_start3A = arith.constant 0 : i32
      %dma_start3A_201 = arith.constant 0 : i32
      %dma_start3A_202 = tpu.memref_slice %arg13[%run_scoped3A_81, %dma_start3A, %dma_start3A_201] : memref<2x256x64xf32, #tpu.memory_space<vmem>> -> memref<1x256x64xf32, #tpu.memory_space<vmem>>
      %dma_start3A_203 = tpu.memref_squeeze %dma_start3A_202 : memref<1x256x64xf32, #tpu.memory_space<vmem>> -> memref<256x64xf32, #tpu.memory_space<vmem>>
      %dma_start3A_204 = arith.constant 0 : i32
      %dma_start3A_205 = tpu.memref_slice %arg8[%add3A_80, %dma_start3A_204] : memref<16384x64xf32, #tpu.memory_space<hbm>> -> memref<256x64xf32, #tpu.memory_space<hbm>>
      %dma_start3A_206 = arith.constant 0 : i32
      %dma_start3A_207 = tpu.memref_slice %arg8[%add3A_80, %dma_start3A_206] : memref<16384x64xf32, #tpu.memory_space<hbm>> -> memref<256x64xf32, #tpu.memory_space<hbm>>
      %dma_start3A_208 = arith.constant 0 : i32
      %dma_start3A_209 = arith.constant 0 : i32
      %dma_start3A_210 = tpu.memref_slice %arg13[%run_scoped3A_81, %dma_start3A_208, %dma_start3A_209] : memref<2x256x64xf32, #tpu.memory_space<vmem>> -> memref<1x256x64xf32, #tpu.memory_space<vmem>>
      %dma_start3A_211 = tpu.memref_squeeze %dma_start3A_210 : memref<1x256x64xf32, #tpu.memory_space<vmem>> -> memref<256x64xf32, #tpu.memory_space<vmem>>
      tpu.enqueue_dma source(%dma_start3A_211 : memref<256x64xf32, #tpu.memory_space<vmem>>) target(%dma_start3A_207 : memref<256x64xf32, #tpu.memory_space<hbm>>) target_semaphore(%run_scoped3A_200 : memref<!tpu.dma_semaphore, #tpu.memory_space<semaphore_mem>>)
      %dma_wait3A_212 = arith.constant 0 : i32
      %dma_wait3A_213 = arith.constant 0 : i32
      %dma_wait3A_214 = tpu.memref_slice %arg13[%run_scoped3A_81, %dma_wait3A_212, %dma_wait3A_213] : memref<2x256x64xf32, #tpu.memory_space<vmem>> -> memref<1x256x64xf32, #tpu.memory_space<vmem>>
      %dma_wait3A_215 = tpu.memref_squeeze %dma_wait3A_214 : memref<1x256x64xf32, #tpu.memory_space<vmem>> -> memref<256x64xf32, #tpu.memory_space<vmem>>
      %dma_wait3A_216 = arith.constant 0 : i32
      %dma_wait3A_217 = tpu.memref_slice %arg8[%add3A_80, %dma_wait3A_216] : memref<16384x64xf32, #tpu.memory_space<hbm>> -> memref<256x64xf32, #tpu.memory_space<hbm>>
      %dma_wait3A_218 = arith.constant 0 : i32
      %dma_wait3A_219 = tpu.memref_slice %arg8[%add3A_80, %dma_wait3A_218] : memref<16384x64xf32, #tpu.memory_space<hbm>> -> memref<256x64xf32, #tpu.memory_space<hbm>>
      %dma_wait3A_220 = arith.constant 0 : i32
      %dma_wait3A_221 = arith.constant 0 : i32
      %dma_wait3A_222 = tpu.memref_slice %arg13[%run_scoped3A_81, %dma_wait3A_220, %dma_wait3A_221] : memref<2x256x64xf32, #tpu.memory_space<vmem>> -> memref<1x256x64xf32, #tpu.memory_space<vmem>>
      %dma_wait3A_223 = tpu.memref_squeeze %dma_wait3A_222 : memref<1x256x64xf32, #tpu.memory_space<vmem>> -> memref<256x64xf32, #tpu.memory_space<vmem>>
      tpu.wait_dma2 semaphore(%run_scoped3A_200 : memref<!tpu.dma_semaphore, #tpu.memory_space<semaphore_mem>>) src(%dma_wait3A_223 : memref<256x64xf32, #tpu.memory_space<vmem>>) dst(%dma_wait3A_219 : memref<256x64xf32, #tpu.memory_space<hbm>>)
      tpu.yield
    }) : () -> ()
    "tpu.region"() ({
      %run_scoped3A_200 = tpu.sem_alloc : memref<!tpu.dma_semaphore, #tpu.memory_space<semaphore_mem>>
      %dma_start3A = tpu.memref_slice %arg12[%mul3A_2] : memref<16384xi32, #tpu.memory_space<vmem_shared>> -> memref<512xi32, #tpu.memory_space<vmem_shared>>
      %dma_start3A_201 = tpu.memref_slice %arg4[%mul3A_2] : memref<16384xi32, #tpu.memory_space<hbm>> -> memref<512xi32, #tpu.memory_space<hbm>>
      tpu.enqueue_dma source(%dma_start3A_201 : memref<512xi32, #tpu.memory_space<hbm>>) target(%dma_start3A : memref<512xi32, #tpu.memory_space<vmem_shared>>) target_semaphore(%run_scoped3A_200 : memref<!tpu.dma_semaphore, #tpu.memory_space<semaphore_mem>>)
      %dma_wait3A_202 = tpu.memref_slice %arg12[%mul3A_2] : memref<16384xi32, #tpu.memory_space<vmem_shared>> -> memref<512xi32, #tpu.memory_space<vmem_shared>>
      %dma_wait3A_203 = tpu.memref_slice %arg4[%mul3A_2] : memref<16384xi32, #tpu.memory_space<hbm>> -> memref<512xi32, #tpu.memory_space<hbm>>
      tpu.wait_dma2 semaphore(%run_scoped3A_200 : memref<!tpu.dma_semaphore, #tpu.memory_space<semaphore_mem>>) src(%dma_wait3A_203 : memref<512xi32, #tpu.memory_space<hbm>>) dst(%dma_wait3A_202 : memref<512xi32, #tpu.memory_space<vmem_shared>>)
      tpu.yield
    }) : () -> ()
    "tpu.region"() ({
      %run_scoped3A_200 = tpu.sem_alloc : memref<!tpu.dma_semaphore, #tpu.memory_space<semaphore_mem>>
      %dma_start3A = tpu.memref_slice %arg12[%mul3A_2] : memref<16384xi32, #tpu.memory_space<vmem_shared>> -> memref<512xi32, #tpu.memory_space<vmem_shared>>
      tpu.enqueue_dma source(%dma_start3A : memref<512xi32, #tpu.memory_space<vmem_shared>>) target(%arg11 : memref<512xi32, #tpu.memory_space<smem>>) target_semaphore(%run_scoped3A_200 : memref<!tpu.dma_semaphore, #tpu.memory_space<semaphore_mem>>)
      %dma_wait3A_201 = tpu.memref_slice %arg12[%mul3A_2] : memref<16384xi32, #tpu.memory_space<vmem_shared>> -> memref<512xi32, #tpu.memory_space<vmem_shared>>
      tpu.wait_dma2 semaphore(%run_scoped3A_200 : memref<!tpu.dma_semaphore, #tpu.memory_space<semaphore_mem>>) src(%dma_wait3A_201 : memref<512xi32, #tpu.memory_space<vmem_shared>>) dst(%arg11 : memref<512xi32, #tpu.memory_space<smem>>)
      tpu.yield
    }) : () -> ()
    %scan3A_82 = arith.constant 0 : i32
    %scan3A_83 = arith.constant 0 : i32
    %scan3A_84 = arith.constant 256 : i32
    %scan3A_85 = arith.addi %scan3A_83, %scan3A_84 : i32
    %scan3A_86 = arith.constant 1 : i32
    %scan3A_87 = scf.for %scan3A_200 = %scan3A_83 to %scan3A_85 step %scan3A_86 iter_args(%scan3A_201 = %scan3A_82) -> (i32)  : i32 {
      %add3A_202 = arith.constant 0 : i32
      %add3A_203 = arith.addi %add3A_202, %scan3A_200 : i32
      %get3A = arith.index_cast %add3A_203 : i32 to index
      %get3A_204 = memref.load %arg11[%get3A] : memref<512xi32, #tpu.memory_space<smem>>
      %dma_start3A = arith.constant 0 : i32
      %dma_start3A_205 = arith.constant 0 : i32
      %dma_start3A_206 = arith.constant 0 : i32
      %dma_start3A_207 = tpu.memref_slice %arg13[%dma_start3A, %dma_start3A_205, %dma_start3A_206] : memref<2x256x64xf32, #tpu.memory_space<vmem>> -> memref<1x256x64xf32, #tpu.memory_space<vmem>>
      %dma_start3A_208 = tpu.memref_squeeze %dma_start3A_207 : memref<1x256x64xf32, #tpu.memory_space<vmem>> -> memref<256x64xf32, #tpu.memory_space<vmem>>
      %dma_start3A_209 = arith.constant 0 : i32
      %dma_start3A_210 = tpu.memref_slice %dma_start3A_208[%scan3A_200, %dma_start3A_209] : memref<256x64xf32, #tpu.memory_space<vmem>> -> memref<1x64xf32, #tpu.memory_space<vmem>>
      %dma_start3A_211 = arith.constant 0 : i32
      %dma_start3A_212 = tpu.memref_slice %arg6[%get3A_204, %dma_start3A_211] : memref<1000000x64xf32, #tpu.memory_space<hbm>> -> memref<1x64xf32, #tpu.memory_space<hbm>>
      %dma_start3A_213 = arith.constant 0 : i32
      %dma_start3A_214 = arith.constant 0 : i32
      %dma_start3A_215 = tpu.memref_slice %arg13[%dma_start3A, %dma_start3A_213, %dma_start3A_214] : memref<2x256x64xf32, #tpu.memory_space<vmem>> -> memref<1x256x64xf32, #tpu.memory_space<vmem>>
      %dma_start3A_216 = tpu.memref_squeeze %dma_start3A_215 : memref<1x256x64xf32, #tpu.memory_space<vmem>> -> memref<256x64xf32, #tpu.memory_space<vmem>>
      %dma_start3A_217 = arith.constant 0 : i32
      %dma_start3A_218 = tpu.memref_slice %dma_start3A_216[%scan3A_200, %dma_start3A_217] : memref<256x64xf32, #tpu.memory_space<vmem>> -> memref<1x64xf32, #tpu.memory_space<vmem>>
      %dma_start3A_219 = arith.constant 0 : i32
      %dma_start3A_220 = tpu.memref_slice %arg6[%get3A_204, %dma_start3A_219] : memref<1000000x64xf32, #tpu.memory_space<hbm>> -> memref<1x64xf32, #tpu.memory_space<hbm>>
      tpu.enqueue_dma source(%dma_start3A_220 : memref<1x64xf32, #tpu.memory_space<hbm>>) target(%dma_start3A_218 : memref<1x64xf32, #tpu.memory_space<vmem>>) target_semaphore(%arg14 : memref<!tpu.dma_semaphore, #tpu.memory_space<semaphore_mem>>)
      %scan3A_221 = arith.constant 0 : i32
      scf.yield %scan3A_221 : i32
    }
    %scan3A_88 = arith.constant 256 : i32
    %dma_wait3A_89 = arith.constant 1 : i32
    %dma_wait3A_90 = arith.constant 0 : i32
    %dma_wait3A_91 = arith.constant 0 : i32
    %dma_wait3A_92 = tpu.memref_slice %arg13[%dma_wait3A_89, %dma_wait3A_90, %dma_wait3A_91] : memref<2x256x64xf32, #tpu.memory_space<vmem>> -> memref<1x256x64xf32, #tpu.memory_space<vmem>>
    %dma_wait3A_93 = tpu.memref_squeeze %dma_wait3A_92 : memref<1x256x64xf32, #tpu.memory_space<vmem>> -> memref<256x64xf32, #tpu.memory_space<vmem>>
    %dma_wait3A_94 = arith.constant 0 : i32
    %dma_wait3A_95 = arith.constant 0 : i32
    %dma_wait3A_96 = tpu.memref_slice %arg6[%dma_wait3A_94, %dma_wait3A_95] : memref<1000000x64xf32, #tpu.memory_space<hbm>> -> memref<256x64xf32, #tpu.memory_space<hbm>>
    %dma_wait3A_97 = arith.constant 0 : i32
    %dma_wait3A_98 = arith.constant 0 : i32
    %dma_wait3A_99 = tpu.memref_slice %arg13[%dma_wait3A_89, %dma_wait3A_97, %dma_wait3A_98] : memref<2x256x64xf32, #tpu.memory_space<vmem>> -> memref<1x256x64xf32, #tpu.memory_space<vmem>>
    %dma_wait3A_100 = tpu.memref_squeeze %dma_wait3A_99 : memref<1x256x64xf32, #tpu.memory_space<vmem>> -> memref<256x64xf32, #tpu.memory_space<vmem>>
    %dma_wait3A_101 = arith.constant 0 : i32
    %dma_wait3A_102 = arith.constant 0 : i32
    %dma_wait3A_103 = tpu.memref_slice %arg6[%dma_wait3A_101, %dma_wait3A_102] : memref<1000000x64xf32, #tpu.memory_space<hbm>> -> memref<256x64xf32, #tpu.memory_space<hbm>>
    tpu.wait_dma2 semaphore(%arg15 : memref<!tpu.dma_semaphore, #tpu.memory_space<semaphore_mem>>) src(%dma_wait3A_103 : memref<256x64xf32, #tpu.memory_space<hbm>>) dst(%dma_wait3A_100 : memref<256x64xf32, #tpu.memory_space<vmem>>)
    %add3A_104 = arith.constant 256 : i32
    %add3A_105 = arith.addi %mul3A_2, %add3A_104 : i32
    %run_scoped3A_106 = arith.constant 1 : i32
    "tpu.region"() ({
      %run_scoped3A_200 = tpu.sem_alloc : memref<!tpu.dma_semaphore, #tpu.memory_space<semaphore_mem>>
      %dma_start3A = arith.constant 0 : i32
      %dma_start3A_201 = arith.constant 0 : i32
      %dma_start3A_202 = tpu.memref_slice %arg13[%run_scoped3A_106, %dma_start3A, %dma_start3A_201] : memref<2x256x64xf32, #tpu.memory_space<vmem>> -> memref<1x256x64xf32, #tpu.memory_space<vmem>>
      %dma_start3A_203 = tpu.memref_squeeze %dma_start3A_202 : memref<1x256x64xf32, #tpu.memory_space<vmem>> -> memref<256x64xf32, #tpu.memory_space<vmem>>
      %dma_start3A_204 = arith.constant 0 : i32
      %dma_start3A_205 = tpu.memref_slice %arg8[%add3A_105, %dma_start3A_204] : memref<16384x64xf32, #tpu.memory_space<hbm>> -> memref<256x64xf32, #tpu.memory_space<hbm>>
      %dma_start3A_206 = arith.constant 0 : i32
      %dma_start3A_207 = tpu.memref_slice %arg8[%add3A_105, %dma_start3A_206] : memref<16384x64xf32, #tpu.memory_space<hbm>> -> memref<256x64xf32, #tpu.memory_space<hbm>>
      %dma_start3A_208 = arith.constant 0 : i32
      %dma_start3A_209 = arith.constant 0 : i32
      %dma_start3A_210 = tpu.memref_slice %arg13[%run_scoped3A_106, %dma_start3A_208, %dma_start3A_209] : memref<2x256x64xf32, #tpu.memory_space<vmem>> -> memref<1x256x64xf32, #tpu.memory_space<vmem>>
      %dma_start3A_211 = tpu.memref_squeeze %dma_start3A_210 : memref<1x256x64xf32, #tpu.memory_space<vmem>> -> memref<256x64xf32, #tpu.memory_space<vmem>>
      tpu.enqueue_dma source(%dma_start3A_211 : memref<256x64xf32, #tpu.memory_space<vmem>>) target(%dma_start3A_207 : memref<256x64xf32, #tpu.memory_space<hbm>>) target_semaphore(%run_scoped3A_200 : memref<!tpu.dma_semaphore, #tpu.memory_space<semaphore_mem>>)
      %dma_wait3A_212 = arith.constant 0 : i32
      %dma_wait3A_213 = arith.constant 0 : i32
      %dma_wait3A_214 = tpu.memref_slice %arg13[%run_scoped3A_106, %dma_wait3A_212, %dma_wait3A_213] : memref<2x256x64xf32, #tpu.memory_space<vmem>> -> memref<1x256x64xf32, #tpu.memory_space<vmem>>
      %dma_wait3A_215 = tpu.memref_squeeze %dma_wait3A_214 : memref<1x256x64xf32, #tpu.memory_space<vmem>> -> memref<256x64xf32, #tpu.memory_space<vmem>>
      %dma_wait3A_216 = arith.constant 0 : i32
      %dma_wait3A_217 = tpu.memref_slice %arg8[%add3A_105, %dma_wait3A_216] : memref<16384x64xf32, #tpu.memory_space<hbm>> -> memref<256x64xf32, #tpu.memory_space<hbm>>
      %dma_wait3A_218 = arith.constant 0 : i32
      %dma_wait3A_219 = tpu.memref_slice %arg8[%add3A_105, %dma_wait3A_218] : memref<16384x64xf32, #tpu.memory_space<hbm>> -> memref<256x64xf32, #tpu.memory_space<hbm>>
      %dma_wait3A_220 = arith.constant 0 : i32
      %dma_wait3A_221 = arith.constant 0 : i32
      %dma_wait3A_222 = tpu.memref_slice %arg13[%run_scoped3A_106, %dma_wait3A_220, %dma_wait3A_221] : memref<2x256x64xf32, #tpu.memory_space<vmem>> -> memref<1x256x64xf32, #tpu.memory_space<vmem>>
      %dma_wait3A_223 = tpu.memref_squeeze %dma_wait3A_222 : memref<1x256x64xf32, #tpu.memory_space<vmem>> -> memref<256x64xf32, #tpu.memory_space<vmem>>
      tpu.wait_dma2 semaphore(%run_scoped3A_200 : memref<!tpu.dma_semaphore, #tpu.memory_space<semaphore_mem>>) src(%dma_wait3A_223 : memref<256x64xf32, #tpu.memory_space<vmem>>) dst(%dma_wait3A_219 : memref<256x64xf32, #tpu.memory_space<hbm>>)
      tpu.yield
    }) : () -> ()
    %scan3A_107 = arith.constant 0 : i32
    %scan3A_108 = arith.constant 0 : i32
    %scan3A_109 = arith.constant 256 : i32
    %scan3A_110 = arith.addi %scan3A_108, %scan3A_109 : i32
    %scan3A_111 = arith.constant 1 : i32
    %scan3A_112 = scf.for %scan3A_200 = %scan3A_108 to %scan3A_110 step %scan3A_111 iter_args(%scan3A_201 = %scan3A_107) -> (i32)  : i32 {
      %add3A_202 = arith.constant 256 : i32
      %add3A_203 = arith.addi %add3A_202, %scan3A_200 : i32
      %get3A = arith.index_cast %add3A_203 : i32 to index
      %get3A_204 = memref.load %arg11[%get3A] : memref<512xi32, #tpu.memory_space<smem>>
      %dma_start3A = arith.constant 1 : i32
      %dma_start3A_205 = arith.constant 0 : i32
      %dma_start3A_206 = arith.constant 0 : i32
      %dma_start3A_207 = tpu.memref_slice %arg13[%dma_start3A, %dma_start3A_205, %dma_start3A_206] : memref<2x256x64xf32, #tpu.memory_space<vmem>> -> memref<1x256x64xf32, #tpu.memory_space<vmem>>
      %dma_start3A_208 = tpu.memref_squeeze %dma_start3A_207 : memref<1x256x64xf32, #tpu.memory_space<vmem>> -> memref<256x64xf32, #tpu.memory_space<vmem>>
      %dma_start3A_209 = arith.constant 0 : i32
      %dma_start3A_210 = tpu.memref_slice %dma_start3A_208[%scan3A_200, %dma_start3A_209] : memref<256x64xf32, #tpu.memory_space<vmem>> -> memref<1x64xf32, #tpu.memory_space<vmem>>
      %dma_start3A_211 = arith.constant 0 : i32
      %dma_start3A_212 = tpu.memref_slice %arg6[%get3A_204, %dma_start3A_211] : memref<1000000x64xf32, #tpu.memory_space<hbm>> -> memref<1x64xf32, #tpu.memory_space<hbm>>
      %dma_start3A_213 = arith.constant 0 : i32
      %dma_start3A_214 = arith.constant 0 : i32
      %dma_start3A_215 = tpu.memref_slice %arg13[%dma_start3A, %dma_start3A_213, %dma_start3A_214] : memref<2x256x64xf32, #tpu.memory_space<vmem>> -> memref<1x256x64xf32, #tpu.memory_space<vmem>>
      %dma_start3A_216 = tpu.memref_squeeze %dma_start3A_215 : memref<1x256x64xf32, #tpu.memory_space<vmem>> -> memref<256x64xf32, #tpu.memory_space<vmem>>
      %dma_start3A_217 = arith.constant 0 : i32
      %dma_start3A_218 = tpu.memref_slice %dma_start3A_216[%scan3A_200, %dma_start3A_217] : memref<256x64xf32, #tpu.memory_space<vmem>> -> memref<1x64xf32, #tpu.memory_space<vmem>>
      %dma_start3A_219 = arith.constant 0 : i32
      %dma_start3A_220 = tpu.memref_slice %arg6[%get3A_204, %dma_start3A_219] : memref<1000000x64xf32, #tpu.memory_space<hbm>> -> memref<1x64xf32, #tpu.memory_space<hbm>>
      tpu.enqueue_dma source(%dma_start3A_220 : memref<1x64xf32, #tpu.memory_space<hbm>>) target(%dma_start3A_218 : memref<1x64xf32, #tpu.memory_space<vmem>>) target_semaphore(%arg15 : memref<!tpu.dma_semaphore, #tpu.memory_space<semaphore_mem>>)
      %scan3A_221 = arith.constant 0 : i32
      scf.yield %scan3A_221 : i32
    }
    %scan3A_113 = arith.constant 256 : i32
    %dma_wait3A_114 = arith.constant 0 : i32
    %dma_wait3A_115 = arith.constant 0 : i32
    %dma_wait3A_116 = arith.constant 0 : i32
    %dma_wait3A_117 = tpu.memref_slice %arg13[%dma_wait3A_114, %dma_wait3A_115, %dma_wait3A_116] : memref<2x256x64xf32, #tpu.memory_space<vmem>> -> memref<1x256x64xf32, #tpu.memory_space<vmem>>
    %dma_wait3A_118 = tpu.memref_squeeze %dma_wait3A_117 : memref<1x256x64xf32, #tpu.memory_space<vmem>> -> memref<256x64xf32, #tpu.memory_space<vmem>>
    %dma_wait3A_119 = arith.constant 0 : i32
    %dma_wait3A_120 = arith.constant 0 : i32
    %dma_wait3A_121 = tpu.memref_slice %arg6[%dma_wait3A_119, %dma_wait3A_120] : memref<1000000x64xf32, #tpu.memory_space<hbm>> -> memref<256x64xf32, #tpu.memory_space<hbm>>
    %dma_wait3A_122 = arith.constant 0 : i32
    %dma_wait3A_123 = arith.constant 0 : i32
    %dma_wait3A_124 = tpu.memref_slice %arg13[%dma_wait3A_114, %dma_wait3A_122, %dma_wait3A_123] : memref<2x256x64xf32, #tpu.memory_space<vmem>> -> memref<1x256x64xf32, #tpu.memory_space<vmem>>
    %dma_wait3A_125 = tpu.memref_squeeze %dma_wait3A_124 : memref<1x256x64xf32, #tpu.memory_space<vmem>> -> memref<256x64xf32, #tpu.memory_space<vmem>>
    %dma_wait3A_126 = arith.constant 0 : i32
    %dma_wait3A_127 = arith.constant 0 : i32
    %dma_wait3A_128 = tpu.memref_slice %arg6[%dma_wait3A_126, %dma_wait3A_127] : memref<1000000x64xf32, #tpu.memory_space<hbm>> -> memref<256x64xf32, #tpu.memory_space<hbm>>
    tpu.wait_dma2 semaphore(%arg14 : memref<!tpu.dma_semaphore, #tpu.memory_space<semaphore_mem>>) src(%dma_wait3A_128 : memref<256x64xf32, #tpu.memory_space<hbm>>) dst(%dma_wait3A_125 : memref<256x64xf32, #tpu.memory_space<vmem>>)
    %add3A_129 = arith.constant 0 : i32
    %add3A_130 = arith.addi %mul3A_2, %add3A_129 : i32
    %run_scoped3A_131 = arith.constant 0 : i32
    "tpu.region"() ({
      %run_scoped3A_200 = tpu.sem_alloc : memref<!tpu.dma_semaphore, #tpu.memory_space<semaphore_mem>>
      %dma_start3A = arith.constant 0 : i32
      %dma_start3A_201 = arith.constant 0 : i32
      %dma_start3A_202 = tpu.memref_slice %arg13[%run_scoped3A_131, %dma_start3A, %dma_start3A_201] : memref<2x256x64xf32, #tpu.memory_space<vmem>> -> memref<1x256x64xf32, #tpu.memory_space<vmem>>
      %dma_start3A_203 = tpu.memref_squeeze %dma_start3A_202 : memref<1x256x64xf32, #tpu.memory_space<vmem>> -> memref<256x64xf32, #tpu.memory_space<vmem>>
      %dma_start3A_204 = arith.constant 0 : i32
      %dma_start3A_205 = tpu.memref_slice %arg9[%add3A_130, %dma_start3A_204] : memref<16384x64xf32, #tpu.memory_space<hbm>> -> memref<256x64xf32, #tpu.memory_space<hbm>>
      %dma_start3A_206 = arith.constant 0 : i32
      %dma_start3A_207 = tpu.memref_slice %arg9[%add3A_130, %dma_start3A_206] : memref<16384x64xf32, #tpu.memory_space<hbm>> -> memref<256x64xf32, #tpu.memory_space<hbm>>
      %dma_start3A_208 = arith.constant 0 : i32
      %dma_start3A_209 = arith.constant 0 : i32
      %dma_start3A_210 = tpu.memref_slice %arg13[%run_scoped3A_131, %dma_start3A_208, %dma_start3A_209] : memref<2x256x64xf32, #tpu.memory_space<vmem>> -> memref<1x256x64xf32, #tpu.memory_space<vmem>>
      %dma_start3A_211 = tpu.memref_squeeze %dma_start3A_210 : memref<1x256x64xf32, #tpu.memory_space<vmem>> -> memref<256x64xf32, #tpu.memory_space<vmem>>
      tpu.enqueue_dma source(%dma_start3A_211 : memref<256x64xf32, #tpu.memory_space<vmem>>) target(%dma_start3A_207 : memref<256x64xf32, #tpu.memory_space<hbm>>) target_semaphore(%run_scoped3A_200 : memref<!tpu.dma_semaphore, #tpu.memory_space<semaphore_mem>>)
      %dma_wait3A_212 = arith.constant 0 : i32
      %dma_wait3A_213 = arith.constant 0 : i32
      %dma_wait3A_214 = tpu.memref_slice %arg13[%run_scoped3A_131, %dma_wait3A_212, %dma_wait3A_213] : memref<2x256x64xf32, #tpu.memory_space<vmem>> -> memref<1x256x64xf32, #tpu.memory_space<vmem>>
      %dma_wait3A_215 = tpu.memref_squeeze %dma_wait3A_214 : memref<1x256x64xf32, #tpu.memory_space<vmem>> -> memref<256x64xf32, #tpu.memory_space<vmem>>
      %dma_wait3A_216 = arith.constant 0 : i32
      %dma_wait3A_217 = tpu.memref_slice %arg9[%add3A_130, %dma_wait3A_216] : memref<16384x64xf32, #tpu.memory_space<hbm>> -> memref<256x64xf32, #tpu.memory_space<hbm>>
      %dma_wait3A_218 = arith.constant 0 : i32
      %dma_wait3A_219 = tpu.memref_slice %arg9[%add3A_130, %dma_wait3A_218] : memref<16384x64xf32, #tpu.memory_space<hbm>> -> memref<256x64xf32, #tpu.memory_space<hbm>>
      %dma_wait3A_220 = arith.constant 0 : i32
      %dma_wait3A_221 = arith.constant 0 : i32
      %dma_wait3A_222 = tpu.memref_slice %arg13[%run_scoped3A_131, %dma_wait3A_220, %dma_wait3A_221] : memref<2x256x64xf32, #tpu.memory_space<vmem>> -> memref<1x256x64xf32, #tpu.memory_space<vmem>>
      %dma_wait3A_223 = tpu.memref_squeeze %dma_wait3A_222 : memref<1x256x64xf32, #tpu.memory_space<vmem>> -> memref<256x64xf32, #tpu.memory_space<vmem>>
      tpu.wait_dma2 semaphore(%run_scoped3A_200 : memref<!tpu.dma_semaphore, #tpu.memory_space<semaphore_mem>>) src(%dma_wait3A_223 : memref<256x64xf32, #tpu.memory_space<vmem>>) dst(%dma_wait3A_219 : memref<256x64xf32, #tpu.memory_space<hbm>>)
      tpu.yield
    }) : () -> ()
    "tpu.region"() ({
      %run_scoped3A_200 = tpu.sem_alloc : memref<!tpu.dma_semaphore, #tpu.memory_space<semaphore_mem>>
      %dma_start3A = tpu.memref_slice %arg12[%mul3A_2] : memref<16384xi32, #tpu.memory_space<vmem_shared>> -> memref<512xi32, #tpu.memory_space<vmem_shared>>
      %dma_start3A_201 = tpu.memref_slice %arg5[%mul3A_2] : memref<16384xi32, #tpu.memory_space<hbm>> -> memref<512xi32, #tpu.memory_space<hbm>>
      tpu.enqueue_dma source(%dma_start3A_201 : memref<512xi32, #tpu.memory_space<hbm>>) target(%dma_start3A : memref<512xi32, #tpu.memory_space<vmem_shared>>) target_semaphore(%run_scoped3A_200 : memref<!tpu.dma_semaphore, #tpu.memory_space<semaphore_mem>>)
      %dma_wait3A_202 = tpu.memref_slice %arg12[%mul3A_2] : memref<16384xi32, #tpu.memory_space<vmem_shared>> -> memref<512xi32, #tpu.memory_space<vmem_shared>>
      %dma_wait3A_203 = tpu.memref_slice %arg5[%mul3A_2] : memref<16384xi32, #tpu.memory_space<hbm>> -> memref<512xi32, #tpu.memory_space<hbm>>
      tpu.wait_dma2 semaphore(%run_scoped3A_200 : memref<!tpu.dma_semaphore, #tpu.memory_space<semaphore_mem>>) src(%dma_wait3A_203 : memref<512xi32, #tpu.memory_space<hbm>>) dst(%dma_wait3A_202 : memref<512xi32, #tpu.memory_space<vmem_shared>>)
      tpu.yield
    }) : () -> ()
    "tpu.region"() ({
      %run_scoped3A_200 = tpu.sem_alloc : memref<!tpu.dma_semaphore, #tpu.memory_space<semaphore_mem>>
      %dma_start3A = tpu.memref_slice %arg12[%mul3A_2] : memref<16384xi32, #tpu.memory_space<vmem_shared>> -> memref<512xi32, #tpu.memory_space<vmem_shared>>
      tpu.enqueue_dma source(%dma_start3A : memref<512xi32, #tpu.memory_space<vmem_shared>>) target(%arg11 : memref<512xi32, #tpu.memory_space<smem>>) target_semaphore(%run_scoped3A_200 : memref<!tpu.dma_semaphore, #tpu.memory_space<semaphore_mem>>)
      %dma_wait3A_201 = tpu.memref_slice %arg12[%mul3A_2] : memref<16384xi32, #tpu.memory_space<vmem_shared>> -> memref<512xi32, #tpu.memory_space<vmem_shared>>
      tpu.wait_dma2 semaphore(%run_scoped3A_200 : memref<!tpu.dma_semaphore, #tpu.memory_space<semaphore_mem>>) src(%dma_wait3A_201 : memref<512xi32, #tpu.memory_space<vmem_shared>>) dst(%arg11 : memref<512xi32, #tpu.memory_space<smem>>)
      tpu.yield
    }) : () -> ()
    %scan3A_132 = arith.constant 0 : i32
    %scan3A_133 = arith.constant 0 : i32
    %scan3A_134 = arith.constant 256 : i32
    %scan3A_135 = arith.addi %scan3A_133, %scan3A_134 : i32
    %scan3A_136 = arith.constant 1 : i32
    %scan3A_137 = scf.for %scan3A_200 = %scan3A_133 to %scan3A_135 step %scan3A_136 iter_args(%scan3A_201 = %scan3A_132) -> (i32)  : i32 {
      %add3A_202 = arith.constant 0 : i32
      %add3A_203 = arith.addi %add3A_202, %scan3A_200 : i32
      %get3A = arith.index_cast %add3A_203 : i32 to index
      %get3A_204 = memref.load %arg11[%get3A] : memref<512xi32, #tpu.memory_space<smem>>
      %dma_start3A = arith.constant 0 : i32
      %dma_start3A_205 = arith.constant 0 : i32
      %dma_start3A_206 = arith.constant 0 : i32
      %dma_start3A_207 = tpu.memref_slice %arg13[%dma_start3A, %dma_start3A_205, %dma_start3A_206] : memref<2x256x64xf32, #tpu.memory_space<vmem>> -> memref<1x256x64xf32, #tpu.memory_space<vmem>>
      %dma_start3A_208 = tpu.memref_squeeze %dma_start3A_207 : memref<1x256x64xf32, #tpu.memory_space<vmem>> -> memref<256x64xf32, #tpu.memory_space<vmem>>
      %dma_start3A_209 = arith.constant 0 : i32
      %dma_start3A_210 = tpu.memref_slice %dma_start3A_208[%scan3A_200, %dma_start3A_209] : memref<256x64xf32, #tpu.memory_space<vmem>> -> memref<1x64xf32, #tpu.memory_space<vmem>>
      %dma_start3A_211 = arith.constant 0 : i32
      %dma_start3A_212 = tpu.memref_slice %arg6[%get3A_204, %dma_start3A_211] : memref<1000000x64xf32, #tpu.memory_space<hbm>> -> memref<1x64xf32, #tpu.memory_space<hbm>>
      %dma_start3A_213 = arith.constant 0 : i32
      %dma_start3A_214 = arith.constant 0 : i32
      %dma_start3A_215 = tpu.memref_slice %arg13[%dma_start3A, %dma_start3A_213, %dma_start3A_214] : memref<2x256x64xf32, #tpu.memory_space<vmem>> -> memref<1x256x64xf32, #tpu.memory_space<vmem>>
      %dma_start3A_216 = tpu.memref_squeeze %dma_start3A_215 : memref<1x256x64xf32, #tpu.memory_space<vmem>> -> memref<256x64xf32, #tpu.memory_space<vmem>>
      %dma_start3A_217 = arith.constant 0 : i32
      %dma_start3A_218 = tpu.memref_slice %dma_start3A_216[%scan3A_200, %dma_start3A_217] : memref<256x64xf32, #tpu.memory_space<vmem>> -> memref<1x64xf32, #tpu.memory_space<vmem>>
      %dma_start3A_219 = arith.constant 0 : i32
      %dma_start3A_220 = tpu.memref_slice %arg6[%get3A_204, %dma_start3A_219] : memref<1000000x64xf32, #tpu.memory_space<hbm>> -> memref<1x64xf32, #tpu.memory_space<hbm>>
      tpu.enqueue_dma source(%dma_start3A_220 : memref<1x64xf32, #tpu.memory_space<hbm>>) target(%dma_start3A_218 : memref<1x64xf32, #tpu.memory_space<vmem>>) target_semaphore(%arg14 : memref<!tpu.dma_semaphore, #tpu.memory_space<semaphore_mem>>)
      %scan3A_221 = arith.constant 0 : i32
      scf.yield %scan3A_221 : i32
    }
    %scan3A_138 = arith.constant 256 : i32
    %dma_wait3A_139 = arith.constant 1 : i32
    %dma_wait3A_140 = arith.constant 0 : i32
    %dma_wait3A_141 = arith.constant 0 : i32
    %dma_wait3A_142 = tpu.memref_slice %arg13[%dma_wait3A_139, %dma_wait3A_140, %dma_wait3A_141] : memref<2x256x64xf32, #tpu.memory_space<vmem>> -> memref<1x256x64xf32, #tpu.memory_space<vmem>>
    %dma_wait3A_143 = tpu.memref_squeeze %dma_wait3A_142 : memref<1x256x64xf32, #tpu.memory_space<vmem>> -> memref<256x64xf32, #tpu.memory_space<vmem>>
    %dma_wait3A_144 = arith.constant 0 : i32
    %dma_wait3A_145 = arith.constant 0 : i32
    %dma_wait3A_146 = tpu.memref_slice %arg6[%dma_wait3A_144, %dma_wait3A_145] : memref<1000000x64xf32, #tpu.memory_space<hbm>> -> memref<256x64xf32, #tpu.memory_space<hbm>>
    %dma_wait3A_147 = arith.constant 0 : i32
    %dma_wait3A_148 = arith.constant 0 : i32
    %dma_wait3A_149 = tpu.memref_slice %arg13[%dma_wait3A_139, %dma_wait3A_147, %dma_wait3A_148] : memref<2x256x64xf32, #tpu.memory_space<vmem>> -> memref<1x256x64xf32, #tpu.memory_space<vmem>>
    %dma_wait3A_150 = tpu.memref_squeeze %dma_wait3A_149 : memref<1x256x64xf32, #tpu.memory_space<vmem>> -> memref<256x64xf32, #tpu.memory_space<vmem>>
    %dma_wait3A_151 = arith.constant 0 : i32
    %dma_wait3A_152 = arith.constant 0 : i32
    %dma_wait3A_153 = tpu.memref_slice %arg6[%dma_wait3A_151, %dma_wait3A_152] : memref<1000000x64xf32, #tpu.memory_space<hbm>> -> memref<256x64xf32, #tpu.memory_space<hbm>>
    tpu.wait_dma2 semaphore(%arg15 : memref<!tpu.dma_semaphore, #tpu.memory_space<semaphore_mem>>) src(%dma_wait3A_153 : memref<256x64xf32, #tpu.memory_space<hbm>>) dst(%dma_wait3A_150 : memref<256x64xf32, #tpu.memory_space<vmem>>)
    %add3A_154 = arith.constant 256 : i32
    %add3A_155 = arith.addi %mul3A_2, %add3A_154 : i32
    %run_scoped3A_156 = arith.constant 1 : i32
    "tpu.region"() ({
      %run_scoped3A_200 = tpu.sem_alloc : memref<!tpu.dma_semaphore, #tpu.memory_space<semaphore_mem>>
      %dma_start3A = arith.constant 0 : i32
      %dma_start3A_201 = arith.constant 0 : i32
      %dma_start3A_202 = tpu.memref_slice %arg13[%run_scoped3A_156, %dma_start3A, %dma_start3A_201] : memref<2x256x64xf32, #tpu.memory_space<vmem>> -> memref<1x256x64xf32, #tpu.memory_space<vmem>>
      %dma_start3A_203 = tpu.memref_squeeze %dma_start3A_202 : memref<1x256x64xf32, #tpu.memory_space<vmem>> -> memref<256x64xf32, #tpu.memory_space<vmem>>
      %dma_start3A_204 = arith.constant 0 : i32
      %dma_start3A_205 = tpu.memref_slice %arg9[%add3A_155, %dma_start3A_204] : memref<16384x64xf32, #tpu.memory_space<hbm>> -> memref<256x64xf32, #tpu.memory_space<hbm>>
      %dma_start3A_206 = arith.constant 0 : i32
      %dma_start3A_207 = tpu.memref_slice %arg9[%add3A_155, %dma_start3A_206] : memref<16384x64xf32, #tpu.memory_space<hbm>> -> memref<256x64xf32, #tpu.memory_space<hbm>>
      %dma_start3A_208 = arith.constant 0 : i32
      %dma_start3A_209 = arith.constant 0 : i32
      %dma_start3A_210 = tpu.memref_slice %arg13[%run_scoped3A_156, %dma_start3A_208, %dma_start3A_209] : memref<2x256x64xf32, #tpu.memory_space<vmem>> -> memref<1x256x64xf32, #tpu.memory_space<vmem>>
      %dma_start3A_211 = tpu.memref_squeeze %dma_start3A_210 : memref<1x256x64xf32, #tpu.memory_space<vmem>> -> memref<256x64xf32, #tpu.memory_space<vmem>>
      tpu.enqueue_dma source(%dma_start3A_211 : memref<256x64xf32, #tpu.memory_space<vmem>>) target(%dma_start3A_207 : memref<256x64xf32, #tpu.memory_space<hbm>>) target_semaphore(%run_scoped3A_200 : memref<!tpu.dma_semaphore, #tpu.memory_space<semaphore_mem>>)
      %dma_wait3A_212 = arith.constant 0 : i32
      %dma_wait3A_213 = arith.constant 0 : i32
      %dma_wait3A_214 = tpu.memref_slice %arg13[%run_scoped3A_156, %dma_wait3A_212, %dma_wait3A_213] : memref<2x256x64xf32, #tpu.memory_space<vmem>> -> memref<1x256x64xf32, #tpu.memory_space<vmem>>
      %dma_wait3A_215 = tpu.memref_squeeze %dma_wait3A_214 : memref<1x256x64xf32, #tpu.memory_space<vmem>> -> memref<256x64xf32, #tpu.memory_space<vmem>>
      %dma_wait3A_216 = arith.constant 0 : i32
      %dma_wait3A_217 = tpu.memref_slice %arg9[%add3A_155, %dma_wait3A_216] : memref<16384x64xf32, #tpu.memory_space<hbm>> -> memref<256x64xf32, #tpu.memory_space<hbm>>
      %dma_wait3A_218 = arith.constant 0 : i32
      %dma_wait3A_219 = tpu.memref_slice %arg9[%add3A_155, %dma_wait3A_218] : memref<16384x64xf32, #tpu.memory_space<hbm>> -> memref<256x64xf32, #tpu.memory_space<hbm>>
      %dma_wait3A_220 = arith.constant 0 : i32
      %dma_wait3A_221 = arith.constant 0 : i32
      %dma_wait3A_222 = tpu.memref_slice %arg13[%run_scoped3A_156, %dma_wait3A_220, %dma_wait3A_221] : memref<2x256x64xf32, #tpu.memory_space<vmem>> -> memref<1x256x64xf32, #tpu.memory_space<vmem>>
      %dma_wait3A_223 = tpu.memref_squeeze %dma_wait3A_222 : memref<1x256x64xf32, #tpu.memory_space<vmem>> -> memref<256x64xf32, #tpu.memory_space<vmem>>
      tpu.wait_dma2 semaphore(%run_scoped3A_200 : memref<!tpu.dma_semaphore, #tpu.memory_space<semaphore_mem>>) src(%dma_wait3A_223 : memref<256x64xf32, #tpu.memory_space<vmem>>) dst(%dma_wait3A_219 : memref<256x64xf32, #tpu.memory_space<hbm>>)
      tpu.yield
    }) : () -> ()
    %scan3A_157 = arith.constant 0 : i32
    %scan3A_158 = arith.constant 0 : i32
    %scan3A_159 = arith.constant 256 : i32
    %scan3A_160 = arith.addi %scan3A_158, %scan3A_159 : i32
    %scan3A_161 = arith.constant 1 : i32
    %scan3A_162 = scf.for %scan3A_200 = %scan3A_158 to %scan3A_160 step %scan3A_161 iter_args(%scan3A_201 = %scan3A_157) -> (i32)  : i32 {
      %add3A_202 = arith.constant 256 : i32
      %add3A_203 = arith.addi %add3A_202, %scan3A_200 : i32
      %get3A = arith.index_cast %add3A_203 : i32 to index
      %get3A_204 = memref.load %arg11[%get3A] : memref<512xi32, #tpu.memory_space<smem>>
      %dma_start3A = arith.constant 1 : i32
      %dma_start3A_205 = arith.constant 0 : i32
      %dma_start3A_206 = arith.constant 0 : i32
      %dma_start3A_207 = tpu.memref_slice %arg13[%dma_start3A, %dma_start3A_205, %dma_start3A_206] : memref<2x256x64xf32, #tpu.memory_space<vmem>> -> memref<1x256x64xf32, #tpu.memory_space<vmem>>
      %dma_start3A_208 = tpu.memref_squeeze %dma_start3A_207 : memref<1x256x64xf32, #tpu.memory_space<vmem>> -> memref<256x64xf32, #tpu.memory_space<vmem>>
      %dma_start3A_209 = arith.constant 0 : i32
      %dma_start3A_210 = tpu.memref_slice %dma_start3A_208[%scan3A_200, %dma_start3A_209] : memref<256x64xf32, #tpu.memory_space<vmem>> -> memref<1x64xf32, #tpu.memory_space<vmem>>
      %dma_start3A_211 = arith.constant 0 : i32
      %dma_start3A_212 = tpu.memref_slice %arg6[%get3A_204, %dma_start3A_211] : memref<1000000x64xf32, #tpu.memory_space<hbm>> -> memref<1x64xf32, #tpu.memory_space<hbm>>
      %dma_start3A_213 = arith.constant 0 : i32
      %dma_start3A_214 = arith.constant 0 : i32
      %dma_start3A_215 = tpu.memref_slice %arg13[%dma_start3A, %dma_start3A_213, %dma_start3A_214] : memref<2x256x64xf32, #tpu.memory_space<vmem>> -> memref<1x256x64xf32, #tpu.memory_space<vmem>>
      %dma_start3A_216 = tpu.memref_squeeze %dma_start3A_215 : memref<1x256x64xf32, #tpu.memory_space<vmem>> -> memref<256x64xf32, #tpu.memory_space<vmem>>
      %dma_start3A_217 = arith.constant 0 : i32
      %dma_start3A_218 = tpu.memref_slice %dma_start3A_216[%scan3A_200, %dma_start3A_217] : memref<256x64xf32, #tpu.memory_space<vmem>> -> memref<1x64xf32, #tpu.memory_space<vmem>>
      %dma_start3A_219 = arith.constant 0 : i32
      %dma_start3A_220 = tpu.memref_slice %arg6[%get3A_204, %dma_start3A_219] : memref<1000000x64xf32, #tpu.memory_space<hbm>> -> memref<1x64xf32, #tpu.memory_space<hbm>>
      tpu.enqueue_dma source(%dma_start3A_220 : memref<1x64xf32, #tpu.memory_space<hbm>>) target(%dma_start3A_218 : memref<1x64xf32, #tpu.memory_space<vmem>>) target_semaphore(%arg15 : memref<!tpu.dma_semaphore, #tpu.memory_space<semaphore_mem>>)
      %scan3A_221 = arith.constant 0 : i32
      scf.yield %scan3A_221 : i32
    }
    %scan3A_163 = arith.constant 256 : i32
    %dma_wait3A_164 = arith.constant 0 : i32
    %dma_wait3A_165 = arith.constant 0 : i32
    %dma_wait3A_166 = arith.constant 0 : i32
    %dma_wait3A_167 = tpu.memref_slice %arg13[%dma_wait3A_164, %dma_wait3A_165, %dma_wait3A_166] : memref<2x256x64xf32, #tpu.memory_space<vmem>> -> memref<1x256x64xf32, #tpu.memory_space<vmem>>
    %dma_wait3A_168 = tpu.memref_squeeze %dma_wait3A_167 : memref<1x256x64xf32, #tpu.memory_space<vmem>> -> memref<256x64xf32, #tpu.memory_space<vmem>>
    %dma_wait3A_169 = arith.constant 0 : i32
    %dma_wait3A_170 = arith.constant 0 : i32
    %dma_wait3A_171 = tpu.memref_slice %arg6[%dma_wait3A_169, %dma_wait3A_170] : memref<1000000x64xf32, #tpu.memory_space<hbm>> -> memref<256x64xf32, #tpu.memory_space<hbm>>
    %dma_wait3A_172 = arith.constant 0 : i32
    %dma_wait3A_173 = arith.constant 0 : i32
    %dma_wait3A_174 = tpu.memref_slice %arg13[%dma_wait3A_164, %dma_wait3A_172, %dma_wait3A_173] : memref<2x256x64xf32, #tpu.memory_space<vmem>> -> memref<1x256x64xf32, #tpu.memory_space<vmem>>
    %dma_wait3A_175 = tpu.memref_squeeze %dma_wait3A_174 : memref<1x256x64xf32, #tpu.memory_space<vmem>> -> memref<256x64xf32, #tpu.memory_space<vmem>>
    %dma_wait3A_176 = arith.constant 0 : i32
    %dma_wait3A_177 = arith.constant 0 : i32
    %dma_wait3A_178 = tpu.memref_slice %arg6[%dma_wait3A_176, %dma_wait3A_177] : memref<1000000x64xf32, #tpu.memory_space<hbm>> -> memref<256x64xf32, #tpu.memory_space<hbm>>
    tpu.wait_dma2 semaphore(%arg14 : memref<!tpu.dma_semaphore, #tpu.memory_space<semaphore_mem>>) src(%dma_wait3A_178 : memref<256x64xf32, #tpu.memory_space<hbm>>) dst(%dma_wait3A_175 : memref<256x64xf32, #tpu.memory_space<vmem>>)
    %add3A_179 = arith.constant 0 : i32
    %add3A_180 = arith.addi %mul3A_2, %add3A_179 : i32
    %run_scoped3A_181 = arith.constant 0 : i32
    "tpu.region"() ({
      %run_scoped3A_200 = tpu.sem_alloc : memref<!tpu.dma_semaphore, #tpu.memory_space<semaphore_mem>>
      %dma_start3A = arith.constant 0 : i32
      %dma_start3A_201 = arith.constant 0 : i32
      %dma_start3A_202 = tpu.memref_slice %arg13[%run_scoped3A_181, %dma_start3A, %dma_start3A_201] : memref<2x256x64xf32, #tpu.memory_space<vmem>> -> memref<1x256x64xf32, #tpu.memory_space<vmem>>
      %dma_start3A_203 = tpu.memref_squeeze %dma_start3A_202 : memref<1x256x64xf32, #tpu.memory_space<vmem>> -> memref<256x64xf32, #tpu.memory_space<vmem>>
      %dma_start3A_204 = arith.constant 0 : i32
      %dma_start3A_205 = tpu.memref_slice %arg10[%add3A_180, %dma_start3A_204] : memref<16384x64xf32, #tpu.memory_space<hbm>> -> memref<256x64xf32, #tpu.memory_space<hbm>>
      %dma_start3A_206 = arith.constant 0 : i32
      %dma_start3A_207 = tpu.memref_slice %arg10[%add3A_180, %dma_start3A_206] : memref<16384x64xf32, #tpu.memory_space<hbm>> -> memref<256x64xf32, #tpu.memory_space<hbm>>
      %dma_start3A_208 = arith.constant 0 : i32
      %dma_start3A_209 = arith.constant 0 : i32
      %dma_start3A_210 = tpu.memref_slice %arg13[%run_scoped3A_181, %dma_start3A_208, %dma_start3A_209] : memref<2x256x64xf32, #tpu.memory_space<vmem>> -> memref<1x256x64xf32, #tpu.memory_space<vmem>>
      %dma_start3A_211 = tpu.memref_squeeze %dma_start3A_210 : memref<1x256x64xf32, #tpu.memory_space<vmem>> -> memref<256x64xf32, #tpu.memory_space<vmem>>
      tpu.enqueue_dma source(%dma_start3A_211 : memref<256x64xf32, #tpu.memory_space<vmem>>) target(%dma_start3A_207 : memref<256x64xf32, #tpu.memory_space<hbm>>) target_semaphore(%run_scoped3A_200 : memref<!tpu.dma_semaphore, #tpu.memory_space<semaphore_mem>>)
      %dma_wait3A_212 = arith.constant 0 : i32
      %dma_wait3A_213 = arith.constant 0 : i32
      %dma_wait3A_214 = tpu.memref_slice %arg13[%run_scoped3A_181, %dma_wait3A_212, %dma_wait3A_213] : memref<2x256x64xf32, #tpu.memory_space<vmem>> -> memref<1x256x64xf32, #tpu.memory_space<vmem>>
      %dma_wait3A_215 = tpu.memref_squeeze %dma_wait3A_214 : memref<1x256x64xf32, #tpu.memory_space<vmem>> -> memref<256x64xf32, #tpu.memory_space<vmem>>
      %dma_wait3A_216 = arith.constant 0 : i32
      %dma_wait3A_217 = tpu.memref_slice %arg10[%add3A_180, %dma_wait3A_216] : memref<16384x64xf32, #tpu.memory_space<hbm>> -> memref<256x64xf32, #tpu.memory_space<hbm>>
      %dma_wait3A_218 = arith.constant 0 : i32
      %dma_wait3A_219 = tpu.memref_slice %arg10[%add3A_180, %dma_wait3A_218] : memref<16384x64xf32, #tpu.memory_space<hbm>> -> memref<256x64xf32, #tpu.memory_space<hbm>>
      %dma_wait3A_220 = arith.constant 0 : i32
      %dma_wait3A_221 = arith.constant 0 : i32
      %dma_wait3A_222 = tpu.memref_slice %arg13[%run_scoped3A_181, %dma_wait3A_220, %dma_wait3A_221] : memref<2x256x64xf32, #tpu.memory_space<vmem>> -> memref<1x256x64xf32, #tpu.memory_space<vmem>>
      %dma_wait3A_223 = tpu.memref_squeeze %dma_wait3A_222 : memref<1x256x64xf32, #tpu.memory_space<vmem>> -> memref<256x64xf32, #tpu.memory_space<vmem>>
      tpu.wait_dma2 semaphore(%run_scoped3A_200 : memref<!tpu.dma_semaphore, #tpu.memory_space<semaphore_mem>>) src(%dma_wait3A_223 : memref<256x64xf32, #tpu.memory_space<vmem>>) dst(%dma_wait3A_219 : memref<256x64xf32, #tpu.memory_space<hbm>>)
      tpu.yield
    }) : () -> ()
    %dma_wait3A_182 = arith.constant 1 : i32
    %dma_wait3A_183 = arith.constant 0 : i32
    %dma_wait3A_184 = arith.constant 0 : i32
    %dma_wait3A_185 = tpu.memref_slice %arg13[%dma_wait3A_182, %dma_wait3A_183, %dma_wait3A_184] : memref<2x256x64xf32, #tpu.memory_space<vmem>> -> memref<1x256x64xf32, #tpu.memory_space<vmem>>
    %dma_wait3A_186 = tpu.memref_squeeze %dma_wait3A_185 : memref<1x256x64xf32, #tpu.memory_space<vmem>> -> memref<256x64xf32, #tpu.memory_space<vmem>>
    %dma_wait3A_187 = arith.constant 0 : i32
    %dma_wait3A_188 = arith.constant 0 : i32
    %dma_wait3A_189 = tpu.memref_slice %arg6[%dma_wait3A_187, %dma_wait3A_188] : memref<1000000x64xf32, #tpu.memory_space<hbm>> -> memref<256x64xf32, #tpu.memory_space<hbm>>
    %dma_wait3A_190 = arith.constant 0 : i32
    %dma_wait3A_191 = arith.constant 0 : i32
    %dma_wait3A_192 = tpu.memref_slice %arg13[%dma_wait3A_182, %dma_wait3A_190, %dma_wait3A_191] : memref<2x256x64xf32, #tpu.memory_space<vmem>> -> memref<1x256x64xf32, #tpu.memory_space<vmem>>
    %dma_wait3A_193 = tpu.memref_squeeze %dma_wait3A_192 : memref<1x256x64xf32, #tpu.memory_space<vmem>> -> memref<256x64xf32, #tpu.memory_space<vmem>>
    %dma_wait3A_194 = arith.constant 0 : i32
    %dma_wait3A_195 = arith.constant 0 : i32
    %dma_wait3A_196 = tpu.memref_slice %arg6[%dma_wait3A_194, %dma_wait3A_195] : memref<1000000x64xf32, #tpu.memory_space<hbm>> -> memref<256x64xf32, #tpu.memory_space<hbm>>
    tpu.wait_dma2 semaphore(%arg15 : memref<!tpu.dma_semaphore, #tpu.memory_space<semaphore_mem>>) src(%dma_wait3A_196 : memref<256x64xf32, #tpu.memory_space<hbm>>) dst(%dma_wait3A_193 : memref<256x64xf32, #tpu.memory_space<vmem>>)
    %add3A_197 = arith.constant 256 : i32
    %add3A_198 = arith.addi %mul3A_2, %add3A_197 : i32
    %run_scoped3A_199 = arith.constant 1 : i32
    "tpu.region"() ({
      %run_scoped3A_200 = tpu.sem_alloc : memref<!tpu.dma_semaphore, #tpu.memory_space<semaphore_mem>>
      %dma_start3A = arith.constant 0 : i32
      %dma_start3A_201 = arith.constant 0 : i32
      %dma_start3A_202 = tpu.memref_slice %arg13[%run_scoped3A_199, %dma_start3A, %dma_start3A_201] : memref<2x256x64xf32, #tpu.memory_space<vmem>> -> memref<1x256x64xf32, #tpu.memory_space<vmem>>
      %dma_start3A_203 = tpu.memref_squeeze %dma_start3A_202 : memref<1x256x64xf32, #tpu.memory_space<vmem>> -> memref<256x64xf32, #tpu.memory_space<vmem>>
      %dma_start3A_204 = arith.constant 0 : i32
      %dma_start3A_205 = tpu.memref_slice %arg10[%add3A_198, %dma_start3A_204] : memref<16384x64xf32, #tpu.memory_space<hbm>> -> memref<256x64xf32, #tpu.memory_space<hbm>>
      %dma_start3A_206 = arith.constant 0 : i32
      %dma_start3A_207 = tpu.memref_slice %arg10[%add3A_198, %dma_start3A_206] : memref<16384x64xf32, #tpu.memory_space<hbm>> -> memref<256x64xf32, #tpu.memory_space<hbm>>
      %dma_start3A_208 = arith.constant 0 : i32
      %dma_start3A_209 = arith.constant 0 : i32
      %dma_start3A_210 = tpu.memref_slice %arg13[%run_scoped3A_199, %dma_start3A_208, %dma_start3A_209] : memref<2x256x64xf32, #tpu.memory_space<vmem>> -> memref<1x256x64xf32, #tpu.memory_space<vmem>>
      %dma_start3A_211 = tpu.memref_squeeze %dma_start3A_210 : memref<1x256x64xf32, #tpu.memory_space<vmem>> -> memref<256x64xf32, #tpu.memory_space<vmem>>
      tpu.enqueue_dma source(%dma_start3A_211 : memref<256x64xf32, #tpu.memory_space<vmem>>) target(%dma_start3A_207 : memref<256x64xf32, #tpu.memory_space<hbm>>) target_semaphore(%run_scoped3A_200 : memref<!tpu.dma_semaphore, #tpu.memory_space<semaphore_mem>>)
      %dma_wait3A_212 = arith.constant 0 : i32
      %dma_wait3A_213 = arith.constant 0 : i32
      %dma_wait3A_214 = tpu.memref_slice %arg13[%run_scoped3A_199, %dma_wait3A_212, %dma_wait3A_213] : memref<2x256x64xf32, #tpu.memory_space<vmem>> -> memref<1x256x64xf32, #tpu.memory_space<vmem>>
      %dma_wait3A_215 = tpu.memref_squeeze %dma_wait3A_214 : memref<1x256x64xf32, #tpu.memory_space<vmem>> -> memref<256x64xf32, #tpu.memory_space<vmem>>
      %dma_wait3A_216 = arith.constant 0 : i32
      %dma_wait3A_217 = tpu.memref_slice %arg10[%add3A_198, %dma_wait3A_216] : memref<16384x64xf32, #tpu.memory_space<hbm>> -> memref<256x64xf32, #tpu.memory_space<hbm>>
      %dma_wait3A_218 = arith.constant 0 : i32
      %dma_wait3A_219 = tpu.memref_slice %arg10[%add3A_198, %dma_wait3A_218] : memref<16384x64xf32, #tpu.memory_space<hbm>> -> memref<256x64xf32, #tpu.memory_space<hbm>>
      %dma_wait3A_220 = arith.constant 0 : i32
      %dma_wait3A_221 = arith.constant 0 : i32
      %dma_wait3A_222 = tpu.memref_slice %arg13[%run_scoped3A_199, %dma_wait3A_220, %dma_wait3A_221] : memref<2x256x64xf32, #tpu.memory_space<vmem>> -> memref<1x256x64xf32, #tpu.memory_space<vmem>>
      %dma_wait3A_223 = tpu.memref_squeeze %dma_wait3A_222 : memref<1x256x64xf32, #tpu.memory_space<vmem>> -> memref<256x64xf32, #tpu.memory_space<vmem>>
      tpu.wait_dma2 semaphore(%run_scoped3A_200 : memref<!tpu.dma_semaphore, #tpu.memory_space<semaphore_mem>>) src(%dma_wait3A_223 : memref<256x64xf32, #tpu.memory_space<vmem>>) dst(%dma_wait3A_219 : memref<256x64xf32, #tpu.memory_space<hbm>>)
      tpu.yield
    }) : () -> ()
    return
  }
}

module attributes {stable_mosaic.version = 14 : i64} {
  func.func @body(%arg0: i32, %arg1: memref<2048x64xf32, #tpu.memory_space<vmem>>, %arg2: memref<2048x64xf32, #tpu.memory_space<vmem>>, %arg3: memref<2048x64xf32, #tpu.memory_space<vmem>>, %arg4: memref<2048x64xf32, #tpu.memory_space<vmem>>, %arg5: memref<2048x1xi32, #tpu.memory_space<vmem>>, %arg6: memref<2048x1xi32, #tpu.memory_space<vmem>>, %arg7: memref<1000x64xf32, #tpu.memory_space<vmem>>, %arg8: memref<1x1xf32, #tpu.memory_space<smem>>) attributes {dimension_semantics = [#tpu.dimension_semantics<arbitrary>], iteration_bounds = array<i64: 8>, scalar_prefetch = 0 : i64, scratch_operands = 0 : i64, tpu.core_type = #tpu.core_type<tc>, window_params = [{transform_indices = @transform_0, window_bounds = array<i64: 2048, 64>}, {transform_indices = @transform_1, window_bounds = array<i64: 2048, 64>}, {transform_indices = @transform_2, window_bounds = array<i64: 2048, 64>}, {transform_indices = @transform_3, window_bounds = array<i64: 2048, 64>}, {transform_indices = @transform_4, window_bounds = array<i64: 2048, 1>}, {transform_indices = @transform_5, window_bounds = array<i64: 2048, 1>}, {pipeline_mode = #tpu.pipeline_mode<synchronous>, transform_indices = @transform_6, window_bounds = array<i64: 1000, 64>}, {transform_indices = @transform_7, window_bounds = array<i64: 1, 1>}]} {
    %eq3A = arith.constant 0 : i32
    %eq3A_0 = arith.cmpi eq, %arg0, %eq3A : i32
    %convert_element_type3A = arith.extui %eq3A_0 : i1 to i32
    %cond3A = arith.constant 0 : i32
    %cond3A_1 = arith.cmpi ne, %convert_element_type3A, %cond3A : i32
    scf.if %cond3A_1 {
      %swap3A_95 = arith.constant 0.000000e+00 : f32
      %swap3A_96 = arith.constant 0 : index
      %swap3A_97 = arith.constant 0 : index
      %swap3A_98 = memref.load %arg8[%swap3A_96, %swap3A_97] : memref<1x1xf32, #tpu.memory_space<smem>>
      memref.store %swap3A_95, %arg8[%swap3A_96, %swap3A_97] : memref<1x1xf32, #tpu.memory_space<smem>>
    } else {
    }
    %get3A = arith.constant 0 : index
    %get3A_2 = arith.constant 0 : index
    %get3A_3 = vector.load %arg7[%get3A, %get3A_2] : memref<1000x64xf32, #tpu.memory_space<vmem>>, vector<1000x64xf32>
    %iota3A = tpu.iota {dimensions = array<i32: 1>} : vector<2048x1000xi32>
    %get3A_4 = arith.constant 0 : index
    %get3A_5 = arith.constant 0 : index
    %get3A_6 = vector.load %arg1[%get3A_4, %get3A_5] : memref<2048x64xf32, #tpu.memory_space<vmem>>, vector<2048x64xf32>
    %get3A_7 = arith.constant 0 : index
    %get3A_8 = arith.constant 0 : index
    %get3A_9 = vector.load %arg2[%get3A_7, %get3A_8] : memref<2048x64xf32, #tpu.memory_space<vmem>>, vector<2048x64xf32>
    %get3A_10 = arith.constant 0 : index
    %get3A_11 = arith.constant 0 : index
    %get3A_12 = vector.load %arg3[%get3A_10, %get3A_11] : memref<2048x64xf32, #tpu.memory_space<vmem>>, vector<2048x64xf32>
    %get3A_13 = arith.constant 0 : index
    %get3A_14 = arith.constant 0 : index
    %get3A_15 = vector.load %arg4[%get3A_13, %get3A_14] : memref<2048x64xf32, #tpu.memory_space<vmem>>, vector<2048x64xf32>
    %get3A_16 = arith.constant 0 : index
    %get3A_17 = arith.constant 0 : index
    %get3A_18 = vector.load %arg5[%get3A_16, %get3A_17] : memref<2048x1xi32, #tpu.memory_space<vmem>>, vector<2048x1xi32>
    %eq3A_19 = vector.broadcast %get3A_18 : vector<2048x1xi32> to vector<2048x1000xi32>
    %eq3A_20 = arith.cmpi eq, %iota3A, %eq3A_19 : vector<2048x1000xi32>
    %convert_element_type3A_21 = arith.extui %eq3A_20 : vector<2048x1000xi1> to vector<2048x1000xi32>
    %convert_element_type3A_22 = arith.sitofp %convert_element_type3A_21 : vector<2048x1000xi32> to vector<2048x1000xf32>
    %dot_general3A = arith.constant dense<0.000000e+00> : vector<2048x64xf32>
    %dot_general3A_23 = tpu.matmul %convert_element_type3A_22, %get3A_3, %dot_general3A {dimension_numbers = #tpu.dot_dimension_numbers<[1], [0], [0], [1], [0, 0, 1, 1], [], []>, transpose_lhs_hint = false} : vector<2048x1000xf32>, vector<1000x64xf32>, vector<2048x64xf32> -> vector<2048x64xf32>
    %get3A_24 = arith.constant 0 : index
    %get3A_25 = arith.constant 0 : index
    %get3A_26 = vector.load %arg6[%get3A_24, %get3A_25] : memref<2048x1xi32, #tpu.memory_space<vmem>>, vector<2048x1xi32>
    %eq3A_27 = vector.broadcast %get3A_26 : vector<2048x1xi32> to vector<2048x1000xi32>
    %eq3A_28 = arith.cmpi eq, %iota3A, %eq3A_27 : vector<2048x1000xi32>
    %convert_element_type3A_29 = arith.extui %eq3A_28 : vector<2048x1000xi1> to vector<2048x1000xi32>
    %convert_element_type3A_30 = arith.sitofp %convert_element_type3A_29 : vector<2048x1000xi32> to vector<2048x1000xf32>
    %dot_general3A_31 = arith.constant dense<0.000000e+00> : vector<2048x64xf32>
    %dot_general3A_32 = tpu.matmul %convert_element_type3A_30, %get3A_3, %dot_general3A_31 {dimension_numbers = #tpu.dot_dimension_numbers<[1], [0], [0], [1], [0, 0, 1, 1], [], []>, transpose_lhs_hint = false} : vector<2048x1000xf32>, vector<1000x64xf32>, vector<2048x64xf32> -> vector<2048x64xf32>
    %mul3A = arith.mulf %get3A_6, %dot_general3A_23 : vector<2048x64xf32>
    %mul3A_33 = arith.mulf %mul3A, %get3A_9 : vector<2048x64xf32>
    %reduce_sum3A = arith.constant dense<0.000000e+00> : vector<2048xf32>
    %reduce_sum3A_34 = vector.multi_reduction <add>, %mul3A_33, %reduce_sum3A [1] : vector<2048x64xf32> to vector<2048xf32>
    %mul3A_35 = arith.mulf %get3A_12, %dot_general3A_32 : vector<2048x64xf32>
    %mul3A_36 = arith.mulf %mul3A_35, %get3A_15 : vector<2048x64xf32>
    %reduce_sum3A_37 = arith.constant dense<0.000000e+00> : vector<2048xf32>
    %reduce_sum3A_38 = vector.multi_reduction <add>, %mul3A_36, %reduce_sum3A_37 [1] : vector<2048x64xf32> to vector<2048xf32>
    %neg3A = arith.constant 0.000000e+00 : f32
    %neg3A_39 = vector.broadcast %neg3A : f32 to vector<2048xf32>
    %neg3A_40 = arith.subf %neg3A_39, %reduce_sum3A_34 : vector<2048xf32>
    %custom_jvp_call3A = arith.constant 0.000000e+00 : f32
    %max3A = vector.broadcast %custom_jvp_call3A : f32 to vector<2048xf32>
    %max3A_41 = arith.maximumf %neg3A_40, %max3A : vector<2048xf32>
    %sub3A = vector.broadcast %custom_jvp_call3A : f32 to vector<2048xf32>
    %sub3A_42 = arith.subf %neg3A_40, %sub3A : vector<2048xf32>
    %ne3A = arith.cmpf one, %sub3A_42, %sub3A_42 : vector<2048xf32>
    %add3A = vector.broadcast %custom_jvp_call3A : f32 to vector<2048xf32>
    %add3A_43 = arith.addf %neg3A_40, %add3A : vector<2048xf32>
    %abs3A = math.absf %sub3A_42 : vector<2048xf32>
    %neg3A_44 = arith.constant 0.000000e+00 : f32
    %neg3A_45 = vector.broadcast %neg3A_44 : f32 to vector<2048xf32>
    %neg3A_46 = arith.subf %neg3A_45, %abs3A : vector<2048xf32>
    %exp3A = math.exp %neg3A_46 : vector<2048xf32>
    %log1p3A = math.log1p %exp3A : vector<2048xf32>
    %add3A_47 = arith.addf %max3A_41, %log1p3A : vector<2048xf32>
    %select_n3A = arith.select %ne3A, %add3A_43, %add3A_47 : vector<2048xi1>, vector<2048xf32>
    %custom_jvp_call3A_48 = arith.constant 0.000000e+00 : f32
    %max3A_49 = vector.broadcast %custom_jvp_call3A_48 : f32 to vector<2048xf32>
    %max3A_50 = arith.maximumf %reduce_sum3A_38, %max3A_49 : vector<2048xf32>
    %sub3A_51 = vector.broadcast %custom_jvp_call3A_48 : f32 to vector<2048xf32>
    %sub3A_52 = arith.subf %reduce_sum3A_38, %sub3A_51 : vector<2048xf32>
    %ne3A_53 = arith.cmpf one, %sub3A_52, %sub3A_52 : vector<2048xf32>
    %add3A_54 = vector.broadcast %custom_jvp_call3A_48 : f32 to vector<2048xf32>
    %add3A_55 = arith.addf %reduce_sum3A_38, %add3A_54 : vector<2048xf32>
    %abs3A_56 = math.absf %sub3A_52 : vector<2048xf32>
    %neg3A_57 = arith.constant 0.000000e+00 : f32
    %neg3A_58 = vector.broadcast %neg3A_57 : f32 to vector<2048xf32>
    %neg3A_59 = arith.subf %neg3A_58, %abs3A_56 : vector<2048xf32>
    %exp3A_60 = math.exp %neg3A_59 : vector<2048xf32>
    %log1p3A_61 = math.log1p %exp3A_60 : vector<2048xf32>
    %add3A_62 = arith.addf %max3A_50, %log1p3A_61 : vector<2048xf32>
    %select_n3A_63 = arith.select %ne3A_53, %add3A_55, %add3A_62 : vector<2048xi1>, vector<2048xf32>
    %add3A_64 = arith.addf %select_n3A, %select_n3A_63 : vector<2048xf32>
    %reduce_sum3A_65 = vector.shape_cast %add3A_64 : vector<2048xf32> to vector<1x2048xf32>
    %reduce_sum3A_66 = arith.constant dense<0.000000e+00> : vector<1xf32>
    %reduce_sum3A_67 = vector.multi_reduction <add>, %reduce_sum3A_65, %reduce_sum3A_66 [1] : vector<1x2048xf32> to vector<1xf32>
    %reduce_sum3A_68 = vector.shape_cast %reduce_sum3A_67 : vector<1xf32> to vector<1x1xf32>
    %reduce_sum3A_69 = vector.extract %reduce_sum3A_68[0, 0] : f32 from vector<1x1xf32>
    %mul3A_70 = arith.mulf %get3A_6, %get3A_6 : vector<2048x64xf32>
    %mul3A_71 = arith.mulf %get3A_9, %get3A_9 : vector<2048x64xf32>
    %add3A_72 = arith.addf %mul3A_70, %mul3A_71 : vector<2048x64xf32>
    %mul3A_73 = arith.mulf %dot_general3A_23, %dot_general3A_23 : vector<2048x64xf32>
    %add3A_74 = arith.addf %add3A_72, %mul3A_73 : vector<2048x64xf32>
    %mul3A_75 = arith.mulf %get3A_12, %get3A_12 : vector<2048x64xf32>
    %add3A_76 = arith.addf %add3A_74, %mul3A_75 : vector<2048x64xf32>
    %mul3A_77 = arith.mulf %get3A_15, %get3A_15 : vector<2048x64xf32>
    %add3A_78 = arith.addf %add3A_76, %mul3A_77 : vector<2048x64xf32>
    %mul3A_79 = arith.mulf %dot_general3A_32, %dot_general3A_32 : vector<2048x64xf32>
    %add3A_80 = arith.addf %add3A_78, %mul3A_79 : vector<2048x64xf32>
    %reduce_sum3A_81 = vector.shape_cast %add3A_80 : vector<2048x64xf32> to vector<1x2048x64xf32>
    %reduce_sum3A_82 = arith.constant dense<0.000000e+00> : vector<1xf32>
    %reduce_sum3A_83 = vector.multi_reduction <add>, %reduce_sum3A_81, %reduce_sum3A_82 [1, 2] : vector<1x2048x64xf32> to vector<1xf32>
    %reduce_sum3A_84 = vector.shape_cast %reduce_sum3A_83 : vector<1xf32> to vector<1x1x1xf32>
    %reduce_sum3A_85 = vector.extract %reduce_sum3A_84[0, 0, 0] : f32 from vector<1x1x1xf32>
    %get3A_86 = arith.constant 0 : index
    %get3A_87 = arith.constant 0 : index
    %get3A_88 = memref.load %arg8[%get3A_86, %get3A_87] : memref<1x1xf32, #tpu.memory_space<smem>>
    %mul3A_89 = arith.constant 9.99999974E-5 : f32
    %mul3A_90 = arith.mulf %mul3A_89, %reduce_sum3A_85 : f32
    %add3A_91 = arith.addf %reduce_sum3A_69, %mul3A_90 : f32
    %add3A_92 = arith.addf %get3A_88, %add3A_91 : f32
    %swap3A = arith.constant 0 : index
    %swap3A_93 = arith.constant 0 : index
    %swap3A_94 = memref.load %arg8[%swap3A, %swap3A_93] : memref<1x1xf32, #tpu.memory_space<smem>>
    memref.store %add3A_92, %arg8[%swap3A, %swap3A_93] : memref<1x1xf32, #tpu.memory_space<smem>>
    return
  }
  func.func @transform_0(%arg0: i32) -> (i32, i32) {
    %c0_i32 = arith.constant 0 : i32
    %c0_i32_0 = arith.constant 0 : i32
    return %arg0, %c0_i32 : i32, i32
  }
  func.func @transform_1(%arg0: i32) -> (i32, i32) {
    %c0_i32 = arith.constant 0 : i32
    %c0_i32_0 = arith.constant 0 : i32
    return %arg0, %c0_i32 : i32, i32
  }
  func.func @transform_2(%arg0: i32) -> (i32, i32) {
    %c0_i32 = arith.constant 0 : i32
    %c0_i32_0 = arith.constant 0 : i32
    return %arg0, %c0_i32 : i32, i32
  }
  func.func @transform_3(%arg0: i32) -> (i32, i32) {
    %c0_i32 = arith.constant 0 : i32
    %c0_i32_0 = arith.constant 0 : i32
    return %arg0, %c0_i32 : i32, i32
  }
  func.func @transform_4(%arg0: i32) -> (i32, i32) {
    %c0_i32 = arith.constant 0 : i32
    %c0_i32_0 = arith.constant 0 : i32
    return %arg0, %c0_i32 : i32, i32
  }
  func.func @transform_5(%arg0: i32) -> (i32, i32) {
    %c0_i32 = arith.constant 0 : i32
    %c0_i32_0 = arith.constant 0 : i32
    return %arg0, %c0_i32 : i32, i32
  }
  func.func @transform_6(%arg0: i32) -> (i32, i32) {
    %c0_i32 = arith.constant 0 : i32
    %c0_i32_0 = arith.constant 0 : i32
    %c0_i32_1 = arith.constant 0 : i32
    return %c0_i32, %c0_i32_0 : i32, i32
  }
  func.func @transform_7(%arg0: i32) -> (i32, i32) {
    %c0_i32 = arith.constant 0 : i32
    %c0_i32_0 = arith.constant 0 : i32
    %c0_i32_1 = arith.constant 0 : i32
    return %c0_i32, %c0_i32_0 : i32, i32
  }
}

</mosaic_0001>

<sc_bundles>
// kernel: kernel.4.cloned.1.call-start
scs
__scs_entry_jumppad:
0x0: {  	(pc) =	sbr.rel $0x88, $3  }
0x1: {  	(tag) =	ssettag $0x0;
	lr =	simm.s32 $0x1  }
0x2: {  	[smem:$0x3F99] =	sst lr;
	_ =	strace $0xD0000000  }
0x3: {  	_ = 	snop  }
0x4: {  	_ = 	snop  }
0x5: {  	_ = 	snop  }
0x6: {  	_ = 	snop  }
0x7: {  	_ = 	snop  }
__scs_overlays_trampoline_lowered:
0x8: {  	[smem:$0x3FA8] =	sst s0  }
0x9: {  	[smem:$0x3FA9] =	sst s1  }
0xa: {  	[smem:$0x3FAA] =	sst s2  }
0xb: {  	[smem:$0x3FAB] =	sst s3  }
0xc: {  	[smem:$0x3FAC] =	sst s4  }
0xd: {  	[smem:$0x3FAD] =	sst s5  }
0xe: {  	[smem:$0x3FAE] =	sst s6  }
0xf: {  	[smem:$0x3FAF] =	sst s7  }
0x10: {  	[smem:$0x3FB0] =	sst s8  }
0x11: {  	[smem:$0x3FB1] =	sst s9;
	s0 =	simm.s32 @!p0 $0x0  }
0x12: {  	s1 =	sld [smem:$0x3F97];
	s0 =	simm.s32 @p0 $0x1  }
0x13: {  	[smem:$0x3FB2] =	sst s0;
	s0 =	simm.s32 @!p1 $0x0  }
0x14: {  	s2 =	sld [smem:$0x3F96];
	s0 =	simm.s32 @p1 $0x1  }
0x15: {  	[smem:$0x3FB3] =	sst s0;
	s0 =	simm.s32 @!p2 $0x0  }
0x16: {  	s3 =	sld [smem:$0x3FDB];
	s0 =	simm.s32 @p2 $0x1  }
0x17: {  	s4 =	simm.s32 $0x1BF5;
	[smem:$0x3FB5] =	sst s0  }
0x18: {  	s0 =	sld [smem:$0x3F98];
	_ =	swait.ge [sflag:s4], $0x0  }
0x19: {  	s7 =	sld [smem:$0x3F99]  }
0x1a: {  	s8 =	sadd.s32 $0xFFFFE003, lr  }
0x1b: {  	s9 =	sadd.s32 $0xFFFFFEF7, lr;
	s5 =	simm.s32 $0xFFFFFFFF;
	p2 =	slt.u32 s8, $0xFFFFF086  }
0x1c: {  	p1 =	slt.u32 s9, $0xF7A;
	s5 =	simm.s32 @!p2 $0x0  }
0x1d: {  	s5 =	simm.s32 @p1 $0x1;
	p0 =	seq.s32 s7, s2  }
0x1e: {  	s7 =	smul.u32 @!p0 $0xF7A, s2;
	p2 =	seq.s32 @!p0 s5, $0x0  }
0x1f: {  	s9 =	smul.u32 $0xF7A, s1;
	s8 =	simm.s32 @!p0 $0x1BF5;
	p2 =	por !p2, p0  }
0x20: {  	[sflag:s8] =	ssyncset.s32 @!p0 $0xFFFFF086;
	s6 =	sadd.s32 @!p0 s3, s7;
	s7 =	simm.s32 @!p0 $0x108  }
0x21: {  	s3 =	sadd.s32 s3, s9;
	s6 =	sadd.s32 @!p0 $0x88, s6;
	s7 =	simm.s32 @p2 $0x1082  }
0x22: {  	[simem:s7], [sflag:s8] =	dma.local @!p0 [hbm:s6], $0xF7A  }
0x23: {  	s9 =	sor.u32 $0xD0000000, s2;
	s6 =	simm.s32 $0x108;
	_ =	swait.ge @!p0 [sflag:s8], $0x0  }
0x24: {  	s3 =	sadd.s32 $0x88, s3;
	s6 =	simm.s32 @!p1 $0x1082;
	[sflag:s4] =	ssyncset.s32 $0xFFFFF086  }
0x25: {  	[simem:s6], [sflag:s4] =	dma.local [hbm:s3], $0xF7A  }
0x26: {  	[smem:$0x3F99] =	sst s1;
	(tag) =	ssettag s2;
	_ =	strace s9  }
0x27: {  	s1 =	sld [smem:$0x3FA9]  }
0x28: {  	s2 =	sld [smem:$0x3FAA]  }
0x29: {  	s4 =	sld [smem:$0x3FAC]  }
0x2a: {  	p0 =	seq.s32 s5, $0x0;
	s5 =	sld [smem:$0x3FAD]  }
0x2b: {  	s6 =	sld [smem:$0x3FAE]  }
0x2c: {  	s7 =	sld [smem:$0x3FAF]  }
0x2d: {  	s3 =	simm.s32 $0x108;
	s8 =	sld [smem:$0x3FB0]  }
0x2e: {  	s3 =	simm.s32 @!p0 $0x1082;
	s9 =	sld [smem:$0x3FB1]  }
0x2f: {  	lr =	sadd.s32 s0, s3;
	s0 =	sld [smem:$0x3FA8]  }
0x30: {  	s3 =	sld [smem:$0x3FAB]  }
0x31: {  	[smem:$0x3FB4] =	sst s10  }
0x32: {  	s10 =	sld [smem:$0x3FB2];
	_ =	sdelay $0x3  }
0x33: {  	p0 =	seq.s32 s10, $0x1;
	s10 =	sld [smem:$0x3FB4];
	_ =	sdelay $0x3  }
0x34: {  	[smem:$0x3FB4] =	sst s10  }
0x35: {  	s10 =	sld [smem:$0x3FB3];
	_ =	sdelay $0x3  }
0x36: {  	p1 =	seq.s32 s10, $0x1;
	s10 =	sld [smem:$0x3FB4];
	_ =	sdelay $0x3  }
0x37: {  	[smem:$0x3FB4] =	sst s10  }
0x38: {  	s10 =	sld [smem:$0x3FB5]  }
0x39: {  	_ = 	snop;
	(pc) =	sbr.ind lr, $3  }
0x3a: {  	_ = 	snop  }
0x3b: {  	_ = 	snop  }
0x3c: {  	p2 =	seq.s32 s10, $0x1;
	s10 =	sld [smem:$0x3FB4]  }
0x3d: {  	_ =	shalt  }
0x3e: {  	_ =	shalt  }
0x3f: {  	_ =	shalt  }
0x40: {  	_ =	shalt  }
0x41: {  	_ =	shalt  }
0x42: {  	_ =	shalt  }
0x43: {  	_ =	shalt  }
0x44: {  	_ =	shalt  }
0x45: {  	_ =	shalt  }
0x46: {  	_ =	shalt  }
0x47: {  	_ =	shalt  }
0x48: {  	_ =	shalt  }
0x49: {  	_ =	shalt  }
0x4a: {  	_ =	shalt  }
0x4b: {  	_ =	shalt  }
0x4c: {  	_ =	shalt  }
0x4d: {  	_ =	shalt  }
0x4e: {  	_ =	shalt  }
0x4f: {  	_ =	shalt  }
0x50: {  	_ =	shalt  }
0x51: {  	_ =	shalt  }
0x52: {  	_ =	shalt  }
0x53: {  	_ =	shalt  }
0x54: {  	_ =	shalt  }
0x55: {  	_ =	shalt  }
0x56: {  	_ =	shalt  }
0x57: {  	_ =	shalt  }
0x58: {  	_ =	shalt  }
0x59: {  	_ =	shalt  }
0x5a: {  	_ =	shalt  }
0x5b: {  	_ =	shalt  }
0x5c: {  	_ =	shalt  }
0x5d: {  	_ =	shalt  }
0x5e: {  	_ =	shalt  }
0x5f: {  	_ =	shalt  }
0x60: {  	_ =	shalt  }
0x61: {  	_ =	shalt  }
0x62: {  	_ =	shalt  }
0x63: {  	_ =	shalt  }
0x64: {  	_ =	shalt  }
0x65: {  	_ =	shalt  }
0x66: {  	_ =	shalt  }
0x67: {  	_ =	shalt  }
0x68: {  	_ =	shalt  }
0x69: {  	_ =	shalt  }
0x6a: {  	_ =	shalt  }
0x6b: {  	_ =	shalt  }
0x6c: {  	_ =	shalt  }
0x6d: {  	_ =	shalt  }
0x6e: {  	_ =	shalt  }
0x6f: {  	_ =	shalt  }
0x70: {  	_ =	shalt  }
0x71: {  	_ =	shalt  }
0x72: {  	_ =	shalt  }
0x73: {  	_ =	shalt  }
0x74: {  	_ =	shalt  }
0x75: {  	_ =	shalt  }
0x76: {  	_ =	shalt  }
0x77: {  	_ =	shalt  }
0x78: {  	_ =	shalt  }
0x79: {  	_ =	shalt  }
0x7a: {  	_ =	shalt  }
0x7b: {  	_ =	shalt  }
0x7c: {  	_ =	shalt  }
0x7d: {  	_ =	shalt  }
0x7e: {  	_ =	shalt  }
0x7f: {  	_ =	shalt  }
0x80: {  	_ =	shalt  }
0x81: {  	_ =	shalt  }
0x82: {  	_ =	shalt  }
0x83: {  	_ =	shalt  }
0x84: {  	_ =	shalt  }
0x85: {  	_ =	shalt  }
0x86: {  	_ =	shalt  }
0x87: {  	_ =	shalt  }
.Lfunc_end0:
.L_simem_size_0:
called_computation_lowered:
.L_overlay_start_0:
0x88: {  	s2 =	sld [smem:$0x3FD9]  }
0x89: {  	s3 =	sld [smem:$0x3FFE];
	_ =	sdelay $0x1  }
0x8a: {  	s1 =	srdreg.scid  }
0x8b: {  	s0 =	sand.u32 $0x1, s1  }
0x8c: {  	s17 =	sshll.u32 s0, $0xA;
	s2 =	sadd.s32 s3, s2  }
0x8d: {  	s2 =	sadd.s32 s2, s17  }
0x8e: {  	[smem:$0x3FC0] =	sst s2  }
0x8f: {  	_ = 	snop  }
0x90: {  	s2 =	sld [smem:$0x3FC9]  }
0x91: {  	s18 =	sld [smem:$0x3FC8]  }
0x92: {  	s4 =	sld [smem:$0x3FC6]  }
0x93: {  	s5 =	sld [smem:$0x3FC5];
	(tm) =	ssettm $0x1  }
0x94: {  	s6 =	sld [smem:$0x3FFB];
	_ =	sdelay $0x3  }
0x95: {  	_ =	strace s6  }
0x96: {  	s6 =	sld [smem:$0x3FFC];
	_ =	sdelay $0x3  }
0x97: {  	_ =	strace s6  }
0x98: {  	s6 =	sld [smem:$0x3FFD];
	_ =	sdelay $0x3  }
0x99: {  	_ =	strace s6  }
0x9a: {  	_ =	strace $0x8FFFFFFF  }
0x9b: {  	s19 =	sld [smem:$0x3FDB];
	_ =	sdelay $0x1  }
0x9c: {  	s7 =	simm.s32 $_scs_section_size  }
0x9d: {  	s8 =	simm.s32 $_size__tile_overlayer_lowered;
	s9 =	simm.s32 $_tile_overlayer_lowered  }
0x9e: {  	s22 =	simm.s32 $0x1BFF;
	s21 =	sshll.u32 s9, $0x1;
	s6 =	sadd.s32 s7, s19  }
0x9f: {  	s10 =	simm.s32 $0x0;
	s20 =	sshll.u32 s8, $0x1;
	s8 =	sadd.s32 s21, s6  }
0xa0: {  	[timem:s10], [sflag:s22] =	dma.local [hbm:s8], s20  }
0xa1: {  	_ =	swait.ge [sflag:s22], s20  }
0xa2: {  	s7 =	ssub.s32 $0x0, s20;
	[sflag:s22] =	ssyncset.done $0x0  }
0xa3: {  	[sflag:s22] =	ssyncadd.s32 s7;
	_ =	sdelay $0x1  }
0xa4: {  	s23 =	simm.s32 $0x1B8B  }
0xa5: {  	_ =	swait.ge [sflag:s23], $0x1  }
0xa6: {  	[sflag:s23] =	ssyncset.done $0x0  }
0xa7: {  	s25 =	simm.s32 $0x1B8E;
	s24 =	sld [smem:$0x3FFE];
	[sflag:s23] =	ssyncadd.s32 $0xFFFFFFFF  }
0xa8: {  	s26 =	simm.s32 $execute0_lowered;
	[smem:$0x3FD2] =	sst s25  }
0xa9: {  	s8 =	sshll.u32 s26, $0x1;
	_ =	strace $0x80000046;
	[dreg:$0x1] =	wrdreg $0xFFFFFFFF  }
0xaa: {  	s28 =	simm.s32 $_size_execute0_lowered;
	s6 =	sadd.s32 s6, s8;
	[dreg:$0x0] =	wrdreg $0x0  }
0xab: {  	s8 =	sshll.u32 s28, $0x1;
	[dreg:$0x2] =	wrdreg s6  }
0xac: {  	[dreg:$0x3] =	wrdreg s8  }
0xad: {  	[dreg:$0x4] =	wrdreg $0xC0  }
0xae: {  	_ =	task [dreg:s10], $0x5FFFF  }
0xaf: {  	[dreg:$0x1] =	wrdreg $0xFFFFFFFF  }
0xb0: {  	[dreg:$0x0] =	wrdreg $0x60  }
0xb1: {  	[dreg:$0x2] =	wrdreg s2  }
0xb2: {  	[dreg:$0x3] =	wrdreg s18  }
0xb3: {  	[dreg:$0x4] =	wrdreg s4  }
0xb4: {  	[dreg:$0x5] =	wrdreg s5  }
0xb5: {  	[dreg:$0x6] =	wrdreg s24  }
0xb6: {  	[dreg:$0x7] =	wrdreg $0x0  }
0xb7: {  	[dreg:$0x8] =	wrdreg $0x9  }
0xb8: {  	_ =	task.clear_ibuf [dreg:s10], $0x9FFFF;
	_ =	strace $0x90000046  }
0xb9: {  	s29 =	simm.s32 $0x9;
	_ =	strace $0x80000048  }
0xba: {  	_ =	swait.ge [sflag:s29], $0x1  }
0xbb: {  	[sflag:s29] =	ssyncadd.s32 $0xFFFFFFFF  }
0xbc: {  	_ =	strace $0x90000048  }
0xbd: {  	_ =	sfence  }
0xbe: {  	s30 =	sld [smem:$0x0];
	_ =	sdelay $0x2  }
0xbf: {  	s31 =	sshll.u32 s1, $0xD;
	s1 =	sshrl.u32 s1, $0x2  }
0xc0: {  	s3 =	sand.u32 $0x4000, s31;
	s1 =	sadd.s32 s1, s30  }
0xc1: {  	s0 =	sor.u32 s3, s0;
	s1 =	sshll.u32 s1, $0x11  }
0xc2: {  	s0 =	sor.u32 s1, s0  }
0xc3: {  	s0 =	sadd.s32 $0x8F2B, s0  }
0xc4: {  	[sflag:s0] =	ssyncadd.remote.s32 $0x1  }
0xc5: {  	_ =	sfence.sel $0xFFFF  }
0xc6: {  	[dreg:$0x0] =	wrdreg $0xFFFFFFFF;
	(pc) =	sbr.abs _section_cstart, $3  }
0xc7: {  	[dreg:$0x1] =	wrdreg $0xFFFFFFFF  }
0xc8: {  	_ =	task.clear_ibuf [dreg:s10], $0x2FFFF;
	_ =	strace $0x9FFFFFFF  }
0xc9: {  	(tm) =	ssettm $0x7FFFFFFF  }
tec
execute0_lowered:
.L_overlay_start_1:
0x0: {  	(tag) =	ssettag $0x1  }
0x1: {  	s5 =	rddreg [dreg:$0x0]  }
0x2: {  	s8 =	rddreg [dreg:$0x1]  }
0x3: {  	s11 =	rddreg [dreg:$0x2]  }
0x4: {  	s14 =	rddreg [dreg:$0x3]  }
0x5: {  	s4 =	rddreg [dreg:$0x4]  }
0x6: {  	s6 =	rddreg [dreg:$0x5];
	s1 =	simm.s32 $0x0  }
0x7: {  	s7 =	srdreg.scid;
	s3 =	stileid.u32;
	s21 =	simm.s32 $0x1  }
0x8: {  	s22 =	simm.s32 $0x2;
	s23 =	simm.s32 $0x400;
	s24 =	simm.s32 $0x8400  }
0x9: {  	[smem:$0x7FF] =	sst s1;
	s2 =	sadd.s32 $0x1200, s4;
	s9 =	sadd.s32 $0xF43600, s4  }
0xa: {  	s25 =	simm.s32 $0x0;
	s12 =	sadd.s32 $0xF83600, s4;
	s15 =	sadd.s32 $0xFC3600, s4  }
0xb: {  	s7 =	sand.u32 $0x1, s7;
	s13 =	sshll.u32 s3, $0xA;
	s17 =	sadd.s32 $0x1003600, s4  }
0xc: {  	s31 =	sshll.u32 s3, $0x6;
	s10 =	ssub.s32 $0x2, s7;
	s7 =	sshll.u32 s7, $0x9  }
0xd: {  	_ =	strace $0x80000047;
	s30 =	sshrl.u32 s10, $0x1;
	s7 =	sor.u32 s7, s13  }
0xe: {  	s18 =	ssub.s32 s10, s30;
	s4 =	sadd.s32 s7, s6;
	s16 =	sshrl.u32 s7, $0x3  }
0xf: {  	s19 =	sshll.u32 s7, $0x4;
	s6 =	sor.u32 $0x1C03, s31;
	s5 =	sadd.s32 s5, s16  }
0x10: {  	s7 =	sadd.s32 s9, s19;
	s20 =	sor.u32 $0x1000, s19;
	s8 =	sadd.s32 s8, s16  }
0x11: {  	s10 =	sadd.s32 s12, s19;
	s11 =	sadd.s32 s11, s16;
	s13 =	sadd.s32 s15, s19  }
0x12: {  	s14 =	sadd.s32 s14, s16;
	s16 =	sadd.s32 s17, s19;
	s18 =	smax.u32 s18, $0x1  }
0x13: {  	s19 =	sshrl.u32 s4, $0x3;
	s9 =	sadd.s32 s9, s20;
	s12 =	sadd.s32 s12, s20  }
0x14: {  	s15 =	sadd.s32 s15, s20;
	s17 =	sadd.s32 s17, s20;
	s20 =	simm.s32 $0x3  }
.LBB2_1:
0x15: {  	[spmem:s19], [sflag:s6] =	dma.local [hbm:s5], $0x40  }
0x16: {  	_ =	swait.ge [sflag:s20], $0x40  }
0x17: {  	[sflag:s20] =	ssyncset.done $0x0  }
0x18: {  	[sflag:s20] =	ssyncadd.s32 $0xFFFFFFC0  }
0x19: {  	[smem:s1], [sflag:$0x3] =	stream.linear.gather [spmem:s4], $0x200, $0x38;
	[tilespmem:$0x10400] =	vst v63  }
0x1a: {  	_ =	swait.ge [sflag:s20], $0x200  }
0x1b: {  	[sflag:s20] =	ssyncset.done $0x0  }
0x1c: {  	[sflag:s20] =	ssyncadd.s32 $0xFFFFFE00  }
0x1d: {  	s26 =	sld [smem:$0x0];
	_ =	sdelay $0x2  }
0x1e: {  	s26 =	sshll.u32 s26, $0x4  }
0x1f: {  	s26 =	sand.u32 $0x1FFFFFF0, s26  }
0x20: {  	s28 =	sld [smem:$0x1];
	s26 =	sadd.s32 s2, s26  }
0x21: {  	[tilespmem:s23], [sflag:$0x1] =	stream.linear.gather [hbm4b:s26+s1], $0x80, $0x38;
	[tilespmem:$0x10400] =	vst v63  }
0x22: {  	s29 =	simm.s32 $0x8;
	s26 =	simm.s32 $0x400  }
.LBB2_2:
0x23: {  	p0 =	sne.s32 s29, $0x3FC  }
.Ltmp0:
0x24: {  	_ = 	snop;
	(pc) =	sbr.rel @p0 .LBB2_2-.Ltmp0, $4  }
0x25: {  	s30 =	sshra.s32 s29, $0x2;
	s31 =	sshll.u32 s28, $0x4  }
0x26: {  	s26 =	sadd.s32 $0x80, s26;
	s29 =	sadd.s32 $0x4, s29;
	s31 =	sand.u32 $0x1FFFFFF0, s31  }
0x27: {  	s28 =	sld [smem:s30+$0x0];
	s30 =	simm.s32 $0x0;
	s31 =	sadd.s32 s2, s31  }
0x28: {  	[tilespmem:s26], [sflag:$0x1] =	stream.linear.gather [hbm4b:s31+s30], $0x80, $0x38;
	[tilespmem:$0x10400] =	vst v63  }
0x29: {  	_ = 	snop  }
0x2a: {  	s28 =	sshll.u32 s28, $0x4  }
0x2b: {  	p1 =	por $0x1, $0x1;
	s28 =	sand.u32 $0x1FFFFFF0, s28  }
.Ltmp1:
0x2c: {  	s26 =	sadd.s32 $0x80, s26;
	s28 =	sadd.s32 s2, s28;
	(pc) =	sbr.rel @!p1 .LBB2_4-.Ltmp1, $4  }
0x2d: {  	[tilespmem:s26], [sflag:$0x1] =	stream.linear.gather [hbm4b:s28+s30], $0x80, $0x38;
	[tilespmem:$0x10400] =	vst v63  }
0x2e: {  	s28 =	sand.u32 $0xFF, s30  }
0x2f: {  	s29 =	simm.s32 $0x1;
	s28 =	sor.u32 $0x100, s28  }
0x30: {  	p0 =	por $0x0, $0x0;
	s26 =	simm.s32 $0x8400;
	s28 =	sld [smem:s28+$0x0]  }
0x31: {  	_ =	sdelay $0x1  }
0x32: {  	p1 =	por $0x1, $0x1;
	s28 =	sshll.u32 s28, $0x4  }
.Ltmp2:
0x33: {  	s28 =	sand.u32 $0x1FFFFFF0, s28;
	(pc) =	sbr.rel @!p1 .LBB2_6-.Ltmp2, $4  }
0x34: {  	s29 =	sand.u32 $0xFF, s29;
	s28 =	sadd.s32 s2, s28  }
0x35: {  	[tilespmem:s26], [sflag:$0x2] =	stream.linear.gather [hbm4b:s28+s1], $0x80, $0x38;
	[tilespmem:$0x10400] =	vst v63  }
0x36: {  	s30 =	simm.s32 $0x2;
	s28 =	sor.u32 $0x100, s29  }
0x37: {  	p0 =	por $0x1, $0x1;
	s29 =	simm.s32 $0x8400;
	s28 =	sld [smem:s28+$0x0]  }
.LBB2_7:
0x38: {  	p1 =	sne.s32 s30, $0xFF  }
.Ltmp3:
0x39: {  	s31 =	sand.u32 $0xFF, s30;
	(pc) =	sbr.rel @p1 .LBB2_7-.Ltmp3, $4  }
0x3a: {  	s31 =	sor.u32 $0x100, s31;
	s28 =	sshll.u32 s28, $0x4  }
0x3b: {  	s30 =	sadd.s32 $0x1, s30;
	s0 =	sand.u32 $0x1FFFFFF0, s28  }
0x3c: {  	s29 =	sadd.s32 $0x80, s29;
	s28 =	sld [smem:s31+$0x0];
	s0 =	sadd.s32 s2, s0  }
0x3d: {  	[tilespmem:s29], [sflag:$0x2] =	stream.linear.gather [hbm4b:s0+s1], $0x80, $0x38;
	[tilespmem:$0x10400] =	vst v63  }
.LBB2_8:
0x3e: {  	_ = 	snop  }
0x3f: {  	s0 =	sshll.u32 s28, $0x4  }
0x40: {  	s28 =	sadd.s32 @p0 $0x80, s29;
	s0 =	sand.u32 $0x1FFFFFF0, s0  }
0x41: {  	s26 =	smov.u32 @p0 s28;
	s0 =	sadd.s32 s2, s0  }
0x42: {  	[tilespmem:s26], [sflag:$0x2] =	stream.linear.gather [hbm4b:s0+s1], $0x80, $0x38;
	[tilespmem:$0x10400] =	vst v63  }
0x43: {  	_ =	swait.ge [sflag:s21], $0x8000  }
0x44: {  	[sflag:s21] =	ssyncset.done $0x0  }
0x45: {  	s30 =	simm.s32 $0x0;
	s26 =	simm.s32 $0x400;
	[sflag:s21] =	ssyncadd.s32 $0xFFFF8000  }
0x46: {  	[hbm4b:s7+s30] =	stream.linear.scatter [tilespmem:s26], [sflag:$0x3], $0x8000, $0x38;
	[tilespmem:$0x10400] =	vst v63  }
0x47: {  	_ =	swait.ge [sflag:s20], $0x8000  }
0x48: {  	[sflag:s20] =	ssyncset.done $0x0  }
0x49: {  	[sflag:s20] =	ssyncadd.s32 $0xFFFF8000  }
0x4a: {  	[spmem:s19], [sflag:s6] =	dma.local [hbm:s8], $0x40  }
0x4b: {  	_ =	swait.ge [sflag:s20], $0x40  }
0x4c: {  	[sflag:s20] =	ssyncset.done $0x0  }
0x4d: {  	[sflag:s20] =	ssyncadd.s32 $0xFFFFFFC0  }
0x4e: {  	[smem:s30], [sflag:$0x3] =	stream.linear.gather [spmem:s4], $0x200, $0x38;
	[tilespmem:$0x10400] =	vst v63  }
0x4f: {  	_ =	swait.ge [sflag:s20], $0x200  }
0x50: {  	[sflag:s20] =	ssyncset.done $0x0  }
0x51: {  	[sflag:s20] =	ssyncadd.s32 $0xFFFFFE00  }
0x52: {  	s31 =	sld [smem:$0x0];
	_ =	sdelay $0x2  }
0x53: {  	s0 =	sshll.u32 s31, $0x4  }
0x54: {  	s0 =	sand.u32 $0x1FFFFFF0, s0  }
0x55: {  	s29 =	simm.s32 $0x8;
	s28 =	sld [smem:$0x1];
	s0 =	sadd.s32 s2, s0  }
0x56: {  	[tilespmem:s26], [sflag:$0x1] =	stream.linear.gather [hbm4b:s0+s1], $0x80, $0x38;
	[tilespmem:$0x10400] =	vst v63  }
.LBB2_9:
0x57: {  	p0 =	sne.s32 s29, $0x3FC  }
.Ltmp4:
0x58: {  	_ = 	snop;
	(pc) =	sbr.rel @p0 .LBB2_9-.Ltmp4, $4  }
0x59: {  	s30 =	sshll.u32 s28, $0x4  }
0x5a: {  	s0 =	sshra.s32 s29, $0x2;
	s26 =	sadd.s32 $0x80, s26;
	s31 =	sand.u32 $0x1FFFFFF0, s30  }
0x5b: {  	s29 =	sadd.s32 $0x4, s29;
	s28 =	sld [smem:s0+$0x0];
	s0 =	sadd.s32 s2, s31  }
0x5c: {  	[tilespmem:s26], [sflag:$0x1] =	stream.linear.gather [hbm4b:s0+s1], $0x80, $0x38;
	[tilespmem:$0x10400] =	vst v63  }
0x5d: {  	_ = 	snop  }
0x5e: {  	s0 =	sshll.u32 s28, $0x4  }
0x5f: {  	s0 =	sand.u32 $0x1FFFFFF0, s0  }
0x60: {  	s26 =	sadd.s32 $0x80, s26;
	s0 =	sadd.s32 s2, s0  }
0x61: {  	[tilespmem:s26], [sflag:$0x1] =	stream.linear.gather [hbm4b:s0+s1], $0x80, $0x38;
	[tilespmem:$0x10400] =	vst v63  }
0x62: {  	_ =	swait.ge [sflag:s22], $0x8000  }
0x63: {  	[sflag:s22] =	ssyncset.done $0x0  }
0x64: {  	s30 =	simm.s32 $0x0;
	s26 =	simm.s32 $0x8400;
	[sflag:s22] =	ssyncadd.s32 $0xFFFF8000  }
0x65: {  	[hbm4b:s9+s30] =	stream.linear.scatter [tilespmem:s26], [sflag:$0x3], $0x8000, $0x38;
	[tilespmem:$0x10400] =	vst v63  }
0x66: {  	_ =	swait.ge [sflag:s20], $0x8000  }
0x67: {  	s0 =	sand.u32 $0xFF, s30;
	[sflag:s20] =	ssyncset.done $0x0  }
0x68: {  	s0 =	sor.u32 $0x100, s0;
	[sflag:s20] =	ssyncadd.s32 $0xFFFF8000  }
0x69: {  	s0 =	sld [smem:s0+$0x0];
	_ =	sdelay $0x1  }
0x6a: {  	s28 =	simm.s32 $0x1  }
0x6b: {  	s28 =	sand.u32 $0xFF, s28;
	s0 =	sshll.u32 s0, $0x4  }
0x6c: {  	s31 =	sor.u32 $0x100, s28;
	s0 =	sand.u32 $0x1FFFFFF0, s0  }
0x6d: {  	s28 =	simm.s32 $0x2;
	s29 =	sld [smem:s31+$0x0];
	s0 =	sadd.s32 s2, s0  }
0x6e: {  	[tilespmem:s26], [sflag:$0x2] =	stream.linear.gather [hbm4b:s0+s1], $0x80, $0x38;
	[tilespmem:$0x10400] =	vst v63  }
.LBB2_11:
0x6f: {  	p0 =	sne.s32 s28, $0xFF  }
.Ltmp5:
0x70: {  	s0 =	sand.u32 $0xFF, s28;
	(pc) =	sbr.rel @p0 .LBB2_11-.Ltmp5, $4  }
0x71: {  	s0 =	sor.u32 $0x100, s0;
	s29 =	sshll.u32 s29, $0x4  }
0x72: {  	s28 =	sadd.s32 $0x1, s28;
	s30 =	sand.u32 $0x1FFFFFF0, s29  }
0x73: {  	s26 =	sadd.s32 $0x80, s26;
	s29 =	sld [smem:s0+$0x0];
	s0 =	sadd.s32 s2, s30  }
0x74: {  	[tilespmem:s26], [sflag:$0x2] =	stream.linear.gather [hbm4b:s0+s1], $0x80, $0x38;
	[tilespmem:$0x10400] =	vst v63  }
0x75: {  	_ = 	snop  }
0x76: {  	s0 =	sshll.u32 s29, $0x4  }
0x77: {  	s0 =	sand.u32 $0x1FFFFFF0, s0  }
0x78: {  	s26 =	sadd.s32 $0x80, s26;
	s0 =	sadd.s32 s2, s0  }
0x79: {  	[tilespmem:s26], [sflag:$0x2] =	stream.linear.gather [hbm4b:s0+s1], $0x80, $0x38;
	[tilespmem:$0x10400] =	vst v63  }
0x7a: {  	_ =	swait.ge [sflag:s21], $0x8000  }
0x7b: {  	[sflag:s21] =	ssyncset.done $0x0  }
0x7c: {  	s30 =	simm.s32 $0x0;
	s26 =	simm.s32 $0x400;
	[sflag:s21] =	ssyncadd.s32 $0xFFFF8000  }
0x7d: {  	[hbm4b:s10+s30] =	stream.linear.scatter [tilespmem:s26], [sflag:$0x3], $0x8000, $0x38;
	[tilespmem:$0x10400] =	vst v63  }
0x7e: {  	_ =	swait.ge [sflag:s20], $0x8000  }
0x7f: {  	[sflag:s20] =	ssyncset.done $0x0  }
0x80: {  	[sflag:s20] =	ssyncadd.s32 $0xFFFF8000  }
0x81: {  	[spmem:s19], [sflag:s6] =	dma.local [hbm:s11], $0x40  }
0x82: {  	_ =	swait.ge [sflag:s20], $0x40  }
0x83: {  	[sflag:s20] =	ssyncset.done $0x0  }
0x84: {  	[sflag:s20] =	ssyncadd.s32 $0xFFFFFFC0  }
0x85: {  	[smem:s30], [sflag:$0x3] =	stream.linear.gather [spmem:s4], $0x200, $0x38;
	[tilespmem:$0x10400] =	vst v63  }
0x86: {  	_ =	swait.ge [sflag:s20], $0x200  }
0x87: {  	[sflag:s20] =	ssyncset.done $0x0  }
0x88: {  	[sflag:s20] =	ssyncadd.s32 $0xFFFFFE00  }
0x89: {  	s31 =	sld [smem:$0x0];
	_ =	sdelay $0x2  }
0x8a: {  	s0 =	sshll.u32 s31, $0x4  }
0x8b: {  	s0 =	sand.u32 $0x1FFFFFF0, s0  }
0x8c: {  	s29 =	simm.s32 $0x8;
	s28 =	sld [smem:$0x1];
	s0 =	sadd.s32 s2, s0  }
0x8d: {  	[tilespmem:s26], [sflag:$0x1] =	stream.linear.gather [hbm4b:s0+s1], $0x80, $0x38;
	[tilespmem:$0x10400] =	vst v63  }
.LBB2_13:
0x8e: {  	p0 =	sne.s32 s29, $0x3FC  }
.Ltmp6:
0x8f: {  	_ = 	snop;
	(pc) =	sbr.rel @p0 .LBB2_13-.Ltmp6, $4  }
0x90: {  	s30 =	sshll.u32 s28, $0x4  }
0x91: {  	s0 =	sshra.s32 s29, $0x2;
	s26 =	sadd.s32 $0x80, s26;
	s31 =	sand.u32 $0x1FFFFFF0, s30  }
0x92: {  	s29 =	sadd.s32 $0x4, s29;
	s28 =	sld [smem:s0+$0x0];
	s0 =	sadd.s32 s2, s31  }
0x93: {  	[tilespmem:s26], [sflag:$0x1] =	stream.linear.gather [hbm4b:s0+s1], $0x80, $0x38;
	[tilespmem:$0x10400] =	vst v63  }
0x94: {  	_ = 	snop  }
0x95: {  	s0 =	sshll.u32 s28, $0x4  }
0x96: {  	s0 =	sand.u32 $0x1FFFFFF0, s0  }
0x97: {  	s26 =	sadd.s32 $0x80, s26;
	s0 =	sadd.s32 s2, s0  }
0x98: {  	[tilespmem:s26], [sflag:$0x1] =	stream.linear.gather [hbm4b:s0+s1], $0x80, $0x38;
	[tilespmem:$0x10400] =	vst v63  }
0x99: {  	_ =	swait.ge [sflag:s22], $0x8000  }
0x9a: {  	[sflag:s22] =	ssyncset.done $0x0  }
0x9b: {  	s30 =	simm.s32 $0x0;
	s26 =	simm.s32 $0x8400;
	[sflag:s22] =	ssyncadd.s32 $0xFFFF8000  }
0x9c: {  	[hbm4b:s12+s30] =	stream.linear.scatter [tilespmem:s26], [sflag:$0x3], $0x8000, $0x38;
	[tilespmem:$0x10400] =	vst v63  }
0x9d: {  	_ =	swait.ge [sflag:s20], $0x8000  }
0x9e: {  	s0 =	sand.u32 $0xFF, s30;
	[sflag:s20] =	ssyncset.done $0x0  }
0x9f: {  	s0 =	sor.u32 $0x100, s0;
	[sflag:s20] =	ssyncadd.s32 $0xFFFF8000  }
0xa0: {  	s0 =	sld [smem:s0+$0x0];
	_ =	sdelay $0x1  }
0xa1: {  	s28 =	simm.s32 $0x1  }
0xa2: {  	s28 =	sand.u32 $0xFF, s28;
	s0 =	sshll.u32 s0, $0x4  }
0xa3: {  	s31 =	sor.u32 $0x100, s28;
	s0 =	sand.u32 $0x1FFFFFF0, s0  }
0xa4: {  	s28 =	simm.s32 $0x2;
	s29 =	sld [smem:s31+$0x0];
	s0 =	sadd.s32 s2, s0  }
0xa5: {  	[tilespmem:s26], [sflag:$0x2] =	stream.linear.gather [hbm4b:s0+s1], $0x80, $0x38;
	[tilespmem:$0x10400] =	vst v63  }
.LBB2_15:
0xa6: {  	p0 =	sne.s32 s28, $0xFF  }
.Ltmp7:
0xa7: {  	s0 =	sand.u32 $0xFF, s28;
	(pc) =	sbr.rel @p0 .LBB2_15-.Ltmp7, $4  }
0xa8: {  	s0 =	sor.u32 $0x100, s0;
	s29 =	sshll.u32 s29, $0x4  }
0xa9: {  	s28 =	sadd.s32 $0x1, s28;
	s30 =	sand.u32 $0x1FFFFFF0, s29  }
0xaa: {  	s26 =	sadd.s32 $0x80, s26;
	s29 =	sld [smem:s0+$0x0];
	s0 =	sadd.s32 s2, s30  }
0xab: {  	[tilespmem:s26], [sflag:$0x2] =	stream.linear.gather [hbm4b:s0+s1], $0x80, $0x38;
	[tilespmem:$0x10400] =	vst v63  }
0xac: {  	_ = 	snop  }
0xad: {  	s0 =	sshll.u32 s29, $0x4  }
0xae: {  	s0 =	sand.u32 $0x1FFFFFF0, s0  }
0xaf: {  	s26 =	sadd.s32 $0x80, s26;
	s0 =	sadd.s32 s2, s0  }
0xb0: {  	[tilespmem:s26], [sflag:$0x2] =	stream.linear.gather [hbm4b:s0+s1], $0x80, $0x38;
	[tilespmem:$0x10400] =	vst v63  }
0xb1: {  	_ =	swait.ge [sflag:s21], $0x8000  }
0xb2: {  	[sflag:s21] =	ssyncset.done $0x0  }
0xb3: {  	s30 =	simm.s32 $0x0;
	s26 =	simm.s32 $0x400;
	[sflag:s21] =	ssyncadd.s32 $0xFFFF8000  }
0xb4: {  	[hbm4b:s13+s30] =	stream.linear.scatter [tilespmem:s26], [sflag:$0x3], $0x8000, $0x38;
	[tilespmem:$0x10400] =	vst v63  }
0xb5: {  	_ =	swait.ge [sflag:s20], $0x8000  }
0xb6: {  	[sflag:s20] =	ssyncset.done $0x0  }
0xb7: {  	[sflag:s20] =	ssyncadd.s32 $0xFFFF8000  }
0xb8: {  	[spmem:s19], [sflag:s6] =	dma.local [hbm:s14], $0x40  }
0xb9: {  	_ =	swait.ge [sflag:s20], $0x40  }
0xba: {  	[sflag:s20] =	ssyncset.done $0x0  }
0xbb: {  	[sflag:s20] =	ssyncadd.s32 $0xFFFFFFC0  }
0xbc: {  	[smem:s30], [sflag:$0x3] =	stream.linear.gather [spmem:s4], $0x200, $0x38;
	[tilespmem:$0x10400] =	vst v63  }
0xbd: {  	_ =	swait.ge [sflag:s20], $0x200  }
0xbe: {  	[sflag:s20] =	ssyncset.done $0x0  }
0xbf: {  	[sflag:s20] =	ssyncadd.s32 $0xFFFFFE00  }
0xc0: {  	s31 =	sld [smem:$0x0];
	_ =	sdelay $0x2  }
0xc1: {  	s0 =	sshll.u32 s31, $0x4  }
0xc2: {  	s0 =	sand.u32 $0x1FFFFFF0, s0  }
0xc3: {  	s29 =	simm.s32 $0x8;
	s28 =	sld [smem:$0x1];
	s0 =	sadd.s32 s2, s0  }
0xc4: {  	[tilespmem:s26], [sflag:$0x1] =	stream.linear.gather [hbm4b:s0+s1], $0x80, $0x38;
	[tilespmem:$0x10400] =	vst v63  }
.LBB2_17:
0xc5: {  	p0 =	sne.s32 s29, $0x3FC  }
.Ltmp8:
0xc6: {  	_ = 	snop;
	(pc) =	sbr.rel @p0 .LBB2_17-.Ltmp8, $4  }
0xc7: {  	s30 =	sshll.u32 s28, $0x4  }
0xc8: {  	s0 =	sshra.s32 s29, $0x2;
	s26 =	sadd.s32 $0x80, s26;
	s31 =	sand.u32 $0x1FFFFFF0, s30  }
0xc9: {  	s29 =	sadd.s32 $0x4, s29;
	s28 =	sld [smem:s0+$0x0];
	s0 =	sadd.s32 s2, s31  }
0xca: {  	[tilespmem:s26], [sflag:$0x1] =	stream.linear.gather [hbm4b:s0+s1], $0x80, $0x38;
	[tilespmem:$0x10400] =	vst v63  }
0xcb: {  	_ = 	snop  }
0xcc: {  	s0 =	sshll.u32 s28, $0x4  }
0xcd: {  	s0 =	sand.u32 $0x1FFFFFF0, s0  }
0xce: {  	s26 =	sadd.s32 $0x80, s26;
	s0 =	sadd.s32 s2, s0  }
0xcf: {  	[tilespmem:s26], [sflag:$0x1] =	stream.linear.gather [hbm4b:s0+s1], $0x80, $0x38;
	[tilespmem:$0x10400] =	vst v63  }
0xd0: {  	_ =	swait.ge [sflag:s22], $0x8000  }
0xd1: {  	[sflag:s22] =	ssyncset.done $0x0  }
0xd2: {  	s30 =	simm.s32 $0x0;
	s26 =	simm.s32 $0x8400;
	[sflag:s22] =	ssyncadd.s32 $0xFFFF8000  }
0xd3: {  	[hbm4b:s15+s30] =	stream.linear.scatter [tilespmem:s26], [sflag:$0x3], $0x8000, $0x38;
	[tilespmem:$0x10400] =	vst v63  }
0xd4: {  	_ =	swait.ge [sflag:s20], $0x8000  }
0xd5: {  	s0 =	sand.u32 $0xFF, s30;
	[sflag:s20] =	ssyncset.done $0x0  }
0xd6: {  	s0 =	sor.u32 $0x100, s0;
	[sflag:s20] =	ssyncadd.s32 $0xFFFF8000  }
0xd7: {  	s0 =	sld [smem:s0+$0x0];
	_ =	sdelay $0x1  }
0xd8: {  	s28 =	simm.s32 $0x1  }
0xd9: {  	s28 =	sand.u32 $0xFF, s28;
	s0 =	sshll.u32 s0, $0x4  }
0xda: {  	s31 =	sor.u32 $0x100, s28;
	s0 =	sand.u32 $0x1FFFFFF0, s0  }
0xdb: {  	s28 =	simm.s32 $0x2;
	s29 =	sld [smem:s31+$0x0];
	s0 =	sadd.s32 s2, s0  }
0xdc: {  	[tilespmem:s26], [sflag:$0x2] =	stream.linear.gather [hbm4b:s0+s1], $0x80, $0x38;
	[tilespmem:$0x10400] =	vst v63  }
.LBB2_19:
0xdd: {  	p0 =	sne.s32 s28, $0xFF  }
.Ltmp9:
0xde: {  	s0 =	sand.u32 $0xFF, s28;
	(pc) =	sbr.rel @p0 .LBB2_19-.Ltmp9, $4  }
0xdf: {  	s0 =	sor.u32 $0x100, s0;
	s29 =	sshll.u32 s29, $0x4  }
0xe0: {  	s28 =	sadd.s32 $0x1, s28;
	s30 =	sand.u32 $0x1FFFFFF0, s29  }
0xe1: {  	s26 =	sadd.s32 $0x80, s26;
	s29 =	sld [smem:s0+$0x0];
	s0 =	sadd.s32 s2, s30  }
0xe2: {  	[tilespmem:s26], [sflag:$0x2] =	stream.linear.gather [hbm4b:s0+s1], $0x80, $0x38;
	[tilespmem:$0x10400] =	vst v63  }
0xe3: {  	_ = 	snop  }
0xe4: {  	s0 =	sshll.u32 s29, $0x4  }
0xe5: {  	s0 =	sand.u32 $0x1FFFFFF0, s0  }
0xe6: {  	s26 =	sadd.s32 $0x80, s26;
	s0 =	sadd.s32 s2, s0  }
0xe7: {  	[tilespmem:s26], [sflag:$0x2] =	stream.linear.gather [hbm4b:s0+s1], $0x80, $0x38;
	[tilespmem:$0x10400] =	vst v63  }
0xe8: {  	_ =	swait.ge [sflag:s21], $0x8000  }
0xe9: {  	[sflag:s21] =	ssyncset.done $0x0  }
0xea: {  	[sflag:s21] =	ssyncadd.s32 $0xFFFF8000  }
0xeb: {  	[hbm4b:s16+s1] =	stream.linear.scatter [tilespmem:s23], [sflag:$0x3], $0x8000, $0x38;
	[tilespmem:$0x10400] =	vst v63  }
0xec: {  	_ =	swait.ge [sflag:s20], $0x8000  }
0xed: {  	[sflag:s20] =	ssyncset.done $0x0  }
0xee: {  	[sflag:s20] =	ssyncadd.s32 $0xFFFF8000  }
0xef: {  	_ =	swait.ge [sflag:s22], $0x8000  }
0xf0: {  	s25 =	sadd.s32 $0x1, s25;
	[sflag:s22] =	ssyncset.done $0x0  }
0xf1: {  	p0 =	sne.s32 s25, s18;
	[sflag:s22] =	ssyncadd.s32 $0xFFFF8000  }
0xf2: {  	[hbm4b:s17+s1] =	stream.linear.scatter [tilespmem:s24], [sflag:$0x3], $0x8000, $0x38;
	[tilespmem:$0x10400] =	vst v63  }
.Ltmp10:
0xf3: {  	_ = 	snop;
	(pc) =	sbr.rel @p0 .LBB2_1-.Ltmp10, $4  }
.Ltmp11:
0xf4: {  	_ = 	snop;
	(pc) =	sbr.rel @!p0 .LBB2_21-.Ltmp11, $4  }
0xf5: {  	_ =	swait.ge [sflag:s20], $0x8000  }
0xf6: {  	[sflag:s20] =	ssyncset.done $0x0  }
0xf7: {  	[sflag:s20] =	ssyncadd.s32 $0xFFFF8000  }
0xf8: {  	_ = 	snop  }
.LBB2_4:
.Ltmp12:
0xf9: {  	(pc) =	sbr.rel .LBB2_8-.Ltmp12, $2  }
0xfa: {  	_ =	sdelay $0x2  }
0xfb: {  	s29 =	simm.s32 $0x8400  }
.LBB2_6:
.Ltmp13:
0xfc: {  	(pc) =	sbr.rel .LBB2_8-.Ltmp13, $2  }
0xfd: {  	_ =	sdelay $0x2  }
0xfe: {  	s29 =	simm.s32 $0x8400  }
.LBB2_21:
0xff: {  	_ =	sfence.sel $0x180000  }
0x100: {  	[bflag:$0x0] =	sbarrier.arrive $0xFFFF  }
0x101: {  	_ =	strace $0x90000047  }
0x102: {  	[bflag:$0x2] =	sbarrier.arrive $0xFFFF  }
0x103: {  	p0 =	sne.s32 s3, $0x0;
	s0 =	rddreg [dreg:$0x6]  }
0x104: {  	s0 =	sadd.s32 @!p0 $0x100000, s0  }
0x105: {  	[sflag:s0] =	ssyncadd.tile.s32 @!p0 $0x1;
	_ =	shalt  }
.Lfunc_end2:
_tile_overlayer_lowered:
.L_overlay_start_2:
0x106: {  	(tag) =	ssettag $0x2  }
0x107: {  	s0 =	rddreg [dreg:$0x0];
	s2 =	stileid.u32  }
0x108: {  	s1 =	rddreg [dreg:$0x1];
	p0 =	sne.s32 s2, $0x0  }
0x109: {  	s3 =	rddreg [dreg:$0x2];
	[bflag:$0x3] =	sbarrier.arrive $0xFFFF;
	s2 =	simm.s32 @!p0 $0x1C03  }
0x10a: {  	[timem:s3], [sflag:s2] =	dma.local @!p0 [hbm:s0], s1  }
0x10b: {  	s0 =	simm.s32 @!p0 $0x3  }
0x10c: {  	_ =	swait.ge @!p0 [sflag:s0], s1  }
0x10d: {  	s1 =	ssub.s32 @!p0 $0x0, s1;
	[sflag:s0] =	ssyncset.done @!p0 $0x0  }
0x10e: {  	[sflag:s0] =	ssyncadd.s32 @!p0 s1  }
0x10f: {  	[bflag:$0x3] =	sbarrier.arrive $0xFFFF  }
0x110: {  	_ =	shalt  }

</sc_bundles>
